<compile_context>
chip_gen: v7x
topology: tpu7x:2x2x1
jax: 0.10.2.dev20260603
libtpu: 0.0.44.dev20260713+nightly
codegen_flags: <defaults>
</compile_context>

<pallas_src>
import functools

import jax
import jax.numpy as jnp
from jax import lax
from jax.experimental import pallas as pl
from jax.experimental.pallas import tpu as pltpu
from jax.experimental.pallas import tpu_sc as plsc

N = 10000
E = 320000
D = 128

NUM_CORES = 2
NUM_SUBCORES = 16
NUM_WORKERS = NUM_CORES * NUM_SUBCORES
CHUNK = 125
CHUNKS_PER_TILE = 80
HALF_CHUNKS = CHUNKS_PER_TILE // 2
N_PAD = 10240
ROWS_PER_TILE = N_PAD // NUM_SUBCORES


def _sc_agg_body(h_hbm, src_hbm, dst_hbm, zeros_hbm, out_hbm,
                 src_v, dst_v, rows_v0, rows_v1, sem0, sem1, ssem0, ssem1,
                 agg_sh):
    c = lax.axis_index("c")
    s = lax.axis_index("s")
    wid = s * NUM_CORES + c

    def g_start(j, buf, sem):
        pltpu.make_async_copy(h_hbm.at[src_v.at[j]], buf, sem).start()

    def g_wait(j, buf, sem):
        pltpu.make_async_copy(h_hbm.at[src_v.at[j]], buf, sem).wait()

    def s_start(j, buf, sem):
        pltpu.make_async_copy(buf, agg_sh.at[dst_v.at[j]], sem).start(
            add=True)

    def s_wait(j, buf, sem):
        pltpu.make_async_copy(buf, agg_sh.at[dst_v.at[j]], sem).wait()

    pltpu.sync_copy(zeros_hbm.at[pl.ds(s * ROWS_PER_TILE, ROWS_PER_TILE)],
                    agg_sh.at[pl.ds(s * ROWS_PER_TILE, ROWS_PER_TILE)])
    plsc.subcore_barrier()

    for half in range(2):
        pltpu.sync_copy(
            src_hbm.at[wid, pl.ds(half * HALF_CHUNKS, HALF_CHUNKS)], src_v)
        pltpu.sync_copy(
            dst_hbm.at[wid, pl.ds(half * HALF_CHUNKS, HALF_CHUNKS)], dst_v)
        g_start(0, rows_v0, sem0)
        g_wait(0, rows_v0, sem0)
        s_start(0, rows_v0, ssem0)
        g_start(1, rows_v1, sem1)
        g_wait(1, rows_v1, sem1)
        s_start(1, rows_v1, ssem1)
        s_wait(0, rows_v0, ssem0)
        g_start(2, rows_v0, sem0)

        def body(i, carry):
            j = 2 * i
            g_wait(j, rows_v0, sem0)
            s_start(j, rows_v0, ssem0)
            s_wait(j - 1, rows_v1, ssem1)
            g_start(j + 1, rows_v1, sem1)
            g_wait(j + 1, rows_v1, sem1)
            s_start(j + 1, rows_v1, ssem1)
            s_wait(j, rows_v0, ssem0)
            g_start(j + 2, rows_v0, sem0)
            return carry

        lax.fori_loop(1, HALF_CHUNKS // 2 - 1, body, 0, unroll=False)
        jl = HALF_CHUNKS - 2
        g_wait(jl, rows_v0, sem0)
        s_start(jl, rows_v0, ssem0)
        s_wait(jl - 1, rows_v1, ssem1)
        g_start(jl + 1, rows_v1, sem1)
        g_wait(jl + 1, rows_v1, sem1)
        s_start(jl + 1, rows_v1, ssem1)
        s_wait(jl, rows_v0, ssem0)
        s_wait(jl + 1, rows_v1, ssem1)
    plsc.subcore_barrier()

    pltpu.sync_copy(agg_sh.at[pl.ds(s * ROWS_PER_TILE, ROWS_PER_TILE)],
                    out_hbm.at[c, pl.ds(s * ROWS_PER_TILE, ROWS_PER_TILE)])


_sc_agg = pl.kernel(
    _sc_agg_body,
    out_type=jax.ShapeDtypeStruct((NUM_CORES, N_PAD, D), jnp.float32),
    mesh=plsc.VectorSubcoreMesh(core_axis_name="c", subcore_axis_name="s"),
    scratch_types=[
        pltpu.VMEM((HALF_CHUNKS, CHUNK), jnp.int32),
        pltpu.VMEM((HALF_CHUNKS, CHUNK), jnp.int32),
        pltpu.VMEM((CHUNK, D), jnp.float32),
        pltpu.VMEM((CHUNK, D), jnp.float32),
        pltpu.SemaphoreType.DMA,
        pltpu.SemaphoreType.DMA,
        pltpu.SemaphoreType.DMA,
        pltpu.SemaphoreType.DMA,
        pltpu.VMEM_SHARED((N_PAD, D), jnp.float32),
    ],
)


def _mm_relu_kernel(x_ref, w_ref, b_ref, o_ref):
    o_ref[...] = jnp.maximum(
        jnp.dot(x_ref[...], w_ref[...], preferred_element_type=jnp.float32)
        + b_ref[...], 0.0)


def _init_mm_kernel(x_ref, w_ref, o_ref):
    o_ref[...] = jnp.dot(x_ref[...], w_ref[...],
                         preferred_element_type=jnp.float32)


def _conv_add_kernel(p_ref, w_ref, b_ref, res_ref, o_ref):
    agg = p_ref[0] + p_ref[1]
    conv = jnp.maximum(
        jnp.dot(agg, w_ref[...], preferred_element_type=jnp.float32)
        + b_ref[...], 0.0)
    o_ref[...] = conv + res_ref[...]


_ROW_BLK = 1000
_GRID = N // _ROW_BLK

_init_mm = pl.pallas_call(
    _init_mm_kernel,
    grid=(_GRID,),
    in_specs=[
        pl.BlockSpec((_ROW_BLK, D), lambda i: (i, 0)),
        pl.BlockSpec((D, D), lambda i: (0, 0)),
    ],
    out_specs=pl.BlockSpec((_ROW_BLK, D), lambda i: (i, 0)),
    out_shape=jax.ShapeDtypeStruct((N, D), jnp.float32),
)

_res_mm = pl.pallas_call(
    _mm_relu_kernel,
    grid=(_GRID,),
    in_specs=[
        pl.BlockSpec((_ROW_BLK, D), lambda i: (i, 0)),
        pl.BlockSpec((D, D), lambda i: (0, 0)),
        pl.BlockSpec((1, D), lambda i: (0, 0)),
    ],
    out_specs=pl.BlockSpec((_ROW_BLK, D), lambda i: (i, 0)),
    out_shape=jax.ShapeDtypeStruct((N, D), jnp.float32),
)

_conv_add = pl.pallas_call(
    _conv_add_kernel,
    grid=(_GRID,),
    in_specs=[
        pl.BlockSpec((2, _ROW_BLK, D), lambda i: (0, i, 0)),
        pl.BlockSpec((D, D), lambda i: (0, 0)),
        pl.BlockSpec((1, D), lambda i: (0, 0)),
        pl.BlockSpec((_ROW_BLK, D), lambda i: (i, 0)),
    ],
    out_specs=pl.BlockSpec((_ROW_BLK, D), lambda i: (i, 0)),
    out_shape=jax.ShapeDtypeStruct((N, D), jnp.float32),
)


def kernel(x, edge_index, W_init, W1, b1, Wr1, br1, W2, b2, Wr2, br2):
    src = edge_index[0].reshape(NUM_WORKERS, CHUNKS_PER_TILE, CHUNK)
    dst = edge_index[1].reshape(NUM_WORKERS, CHUNKS_PER_TILE, CHUNK)
    zeros = jnp.zeros((N_PAD, D), jnp.float32)

    h = _init_mm(x, W_init)
    for (W, b, Wr, br) in ((W1, b1, Wr1, br1), (W2, b2, Wr2, br2)):
        parts = _sc_agg(h, src, dst, zeros)
        res = _res_mm(h, Wr, br.reshape(1, D))
        h = _conv_add(parts, W, b.reshape(1, D), res)
    return h.reshape(100, N // 100, D)

# --- scband reference (transcript-rebuilt; emitter-appended) ---
"""Pipeline reference for scband-molecular-gcn-51015621542347 (READ-ONLY COPY).

The authoritative reference and input builder live on the scoring server;
editing this copy changes nothing except your own understanding.
"""

import jax, jax.numpy as jnp
import numpy as np

N = 10000
E = 320000
D = 128
B = 100


def setup_inputs(seed: int = 0) -> dict:
    key = jax.random.key(seed)
    ks = jax.random.split(key, 12)
    x = jax.random.normal(ks[0], (N, D), dtype=jnp.float32)
    edge_index = jax.random.randint(ks[1], (2, E), 0, N, dtype=jnp.int32)
    # init_transform: Linear(in_feats=128, dim_embedding=128, bias=False),
    # padding=True zeroes the last output row of the weight.
    W_init = jax.random.normal(ks[2], (D, D), dtype=jnp.float32) * 0.05
    W_init = W_init.at[:, -1].set(0.0)
    # dgllife GCN defaults: gnn_norm='none', activation=relu, residual=True, batchnorm=False, dropout=0
    W1 = jax.random.normal(ks[3], (D, D), dtype=jnp.float32) * 0.05
    b1 = jnp.zeros((D,), dtype=jnp.float32)
    Wr1 = jax.random.normal(ks[4], (D, D), dtype=jnp.float32) * 0.05
    br1 = jnp.zeros((D,), dtype=jnp.float32)
    W2 = jax.random.normal(ks[5], (D, D), dtype=jnp.float32) * 0.05
    b2 = jnp.zeros((D,), dtype=jnp.float32)
    Wr2 = jax.random.normal(ks[6], (D, D), dtype=jnp.float32) * 0.05
    br2 = jnp.zeros((D,), dtype=jnp.float32)
    return {"x": x, "edge_index": edge_index, "W_init": W_init,
            "W1": W1, "b1": b1, "Wr1": Wr1, "br1": br1,
            "W2": W2, "b2": b2, "Wr2": Wr2, "br2": br2}


def reference(x, edge_index, W_init, W1, b1, Wr1, br1, W2, b2, Wr2, br2):
    # init_transform (Linear, no bias)
    h = x @ W_init
    src = edge_index[0]
    dst = edge_index[1]
    # Two dgllife GCNLayers: GraphConv(norm='none') + relu, plus residual Linear + relu
    for (W, b, Wr, br) in ((W1, b1, Wr1, br1), (W2, b2, Wr2, br2)):
        # message passing: sum aggregation of source features into destination nodes
        agg = jax.ops.segment_sum(h[src], dst, num_segments=N)
        conv = jax.nn.relu(agg @ W + b)
        res = jax.nn.relu(h @ Wr + br)
        h = conv + res
    # view(batch_size, -1, output_feats)
    return h.reshape(B, N // B, h.shape[-1])

if __name__ == "__main__":
    import jax
    _d = setup_inputs()
    print(jax.jit(kernel)(*tuple(_d.values())))

</pallas_src>

<mosaic_0001>
#map = affine_map<(d0, d1) -> (0, 0)>
#map1 = affine_map<(d0, d1) -> (0, 0, 0)>
module attributes {stable_mosaic.version = 14 : i64} {
  func.func @_sc_agg_body(%arg0: i32, %arg1: i32, %arg2: memref<10000x128xf32, #tpu.memory_space<hbm>>, %arg3: memref<32x80x125xi32, #tpu.memory_space<hbm>>, %arg4: memref<32x80x125xi32, #tpu.memory_space<hbm>>, %arg5: memref<10240x128xf32, #tpu.memory_space<hbm>>, %arg6: memref<2x10240x128xf32, #tpu.memory_space<hbm>>, %arg7: memref<40x125xi32, #tpu.memory_space<vmem>>, %arg8: memref<40x125xi32, #tpu.memory_space<vmem>>, %arg9: memref<125x128xf32, #tpu.memory_space<vmem>>, %arg10: memref<125x128xf32, #tpu.memory_space<vmem>>, %arg11: memref<!tpu.dma_semaphore, #tpu.memory_space<semaphore_mem>>, %arg12: memref<!tpu.dma_semaphore, #tpu.memory_space<semaphore_mem>>, %arg13: memref<!tpu.dma_semaphore, #tpu.memory_space<semaphore_mem>>, %arg14: memref<!tpu.dma_semaphore, #tpu.memory_space<semaphore_mem>>, %arg15: memref<10240x128xf32, #tpu.memory_space<vmem_shared>>) attributes {dimension_semantics = [#tpu.dimension_semantics<core_parallel>, #tpu.dimension_semantics<subcore_parallel>], iteration_bounds = array<i64: 2, 16>, scalar_prefetch = 0 : i64, scratch_operands = 9 : i64, tpu.core_type = #tpu.core_type<sc_vector_subcore>, window_params = [{transform_indices = #map}, {transform_indices = #map1}, {transform_indices = #map1}, {transform_indices = #map}, {transform_indices = #map1}]} {
    %mul3A = arith.constant 2 : i32
    %mul3A_0 = arith.muli %arg1, %mul3A : i32
    %add3A = arith.addi %mul3A_0, %arg0 : i32
    %mul3A_1 = arith.constant 640 : i32
    %mul3A_2 = arith.muli %arg1, %mul3A_1 : i32
    %mul3A_3 = arith.constant 640 : i32
    %mul3A_4 = arith.muli %arg1, %mul3A_3 : i32
    "tpu.region"() ({
      %run_scoped3A = tpu.sem_alloc : memref<!tpu.dma_semaphore, #tpu.memory_space<semaphore_mem>>
      %dma_start3A_243 = arith.constant 0 : i32
      %dma_start3A_244 = tpu.memref_slice %arg15[%mul3A_4, %dma_start3A_243] : memref<10240x128xf32, #tpu.memory_space<vmem_shared>> -> memref<640x128xf32, #tpu.memory_space<vmem_shared>>
      %dma_start3A_245 = arith.constant 0 : i32
      %dma_start3A_246 = tpu.memref_slice %arg5[%mul3A_2, %dma_start3A_245] : memref<10240x128xf32, #tpu.memory_space<hbm>> -> memref<640x128xf32, #tpu.memory_space<hbm>>
      tpu.enqueue_dma source(%dma_start3A_246 : memref<640x128xf32, #tpu.memory_space<hbm>>) target(%dma_start3A_244 : memref<640x128xf32, #tpu.memory_space<vmem_shared>>) target_semaphore(%run_scoped3A : memref<!tpu.dma_semaphore, #tpu.memory_space<semaphore_mem>>)
      %dma_wait3A_247 = arith.constant 0 : i32
      %dma_wait3A_248 = tpu.memref_slice %arg15[%mul3A_4, %dma_wait3A_247] : memref<10240x128xf32, #tpu.memory_space<vmem_shared>> -> memref<640x128xf32, #tpu.memory_space<vmem_shared>>
      %dma_wait3A_249 = arith.constant 0 : i32
      %dma_wait3A_250 = tpu.memref_slice %arg5[%mul3A_2, %dma_wait3A_249] : memref<10240x128xf32, #tpu.memory_space<hbm>> -> memref<640x128xf32, #tpu.memory_space<hbm>>
      tpu.wait_dma2 semaphore(%run_scoped3A : memref<!tpu.dma_semaphore, #tpu.memory_space<semaphore_mem>>) src(%dma_wait3A_250 : memref<640x128xf32, #tpu.memory_space<hbm>>) dst(%dma_wait3A_248 : memref<640x128xf32, #tpu.memory_space<vmem_shared>>)
      tpu.yield
    }) : () -> ()
    %barrier3A = arith.constant 0 : index
    tpu.barrier barrier_id(%barrier3A)
    "tpu.region"() ({
      %run_scoped3A = tpu.sem_alloc : memref<!tpu.dma_semaphore, #tpu.memory_space<semaphore_mem>>
      %dma_start3A_243 = arith.constant 0 : i32
      %dma_start3A_244 = arith.constant 0 : i32
      %dma_start3A_245 = tpu.memref_slice %arg3[%add3A, %dma_start3A_243, %dma_start3A_244] : memref<32x80x125xi32, #tpu.memory_space<hbm>> -> memref<1x40x125xi32, #tpu.memory_space<hbm>>
      %dma_start3A_246 = tpu.memref_squeeze %dma_start3A_245 : memref<1x40x125xi32, #tpu.memory_space<hbm>> -> memref<40x125xi32, #tpu.memory_space<hbm>>
      %dma_start3A_247 = arith.constant 0 : i32
      %dma_start3A_248 = arith.constant 0 : i32
      %dma_start3A_249 = tpu.memref_slice %arg3[%add3A, %dma_start3A_247, %dma_start3A_248] : memref<32x80x125xi32, #tpu.memory_space<hbm>> -> memref<1x40x125xi32, #tpu.memory_space<hbm>>
      %dma_start3A_250 = tpu.memref_squeeze %dma_start3A_249 : memref<1x40x125xi32, #tpu.memory_space<hbm>> -> memref<40x125xi32, #tpu.memory_space<hbm>>
      tpu.enqueue_dma source(%dma_start3A_250 : memref<40x125xi32, #tpu.memory_space<hbm>>) target(%arg7 : memref<40x125xi32, #tpu.memory_space<vmem>>) target_semaphore(%run_scoped3A : memref<!tpu.dma_semaphore, #tpu.memory_space<semaphore_mem>>)
      %dma_wait3A_251 = arith.constant 0 : i32
      %dma_wait3A_252 = arith.constant 0 : i32
      %dma_wait3A_253 = tpu.memref_slice %arg3[%add3A, %dma_wait3A_251, %dma_wait3A_252] : memref<32x80x125xi32, #tpu.memory_space<hbm>> -> memref<1x40x125xi32, #tpu.memory_space<hbm>>
      %dma_wait3A_254 = tpu.memref_squeeze %dma_wait3A_253 : memref<1x40x125xi32, #tpu.memory_space<hbm>> -> memref<40x125xi32, #tpu.memory_space<hbm>>
      %dma_wait3A_255 = arith.constant 0 : i32
      %dma_wait3A_256 = arith.constant 0 : i32
      %dma_wait3A_257 = tpu.memref_slice %arg3[%add3A, %dma_wait3A_255, %dma_wait3A_256] : memref<32x80x125xi32, #tpu.memory_space<hbm>> -> memref<1x40x125xi32, #tpu.memory_space<hbm>>
      %dma_wait3A_258 = tpu.memref_squeeze %dma_wait3A_257 : memref<1x40x125xi32, #tpu.memory_space<hbm>> -> memref<40x125xi32, #tpu.memory_space<hbm>>
      tpu.wait_dma2 semaphore(%run_scoped3A : memref<!tpu.dma_semaphore, #tpu.memory_space<semaphore_mem>>) src(%dma_wait3A_258 : memref<40x125xi32, #tpu.memory_space<hbm>>) dst(%arg7 : memref<40x125xi32, #tpu.memory_space<vmem>>)
      tpu.yield
    }) : () -> ()
    "tpu.region"() ({
      %run_scoped3A = tpu.sem_alloc : memref<!tpu.dma_semaphore, #tpu.memory_space<semaphore_mem>>
      %dma_start3A_243 = arith.constant 0 : i32
      %dma_start3A_244 = arith.constant 0 : i32
      %dma_start3A_245 = tpu.memref_slice %arg4[%add3A, %dma_start3A_243, %dma_start3A_244] : memref<32x80x125xi32, #tpu.memory_space<hbm>> -> memref<1x40x125xi32, #tpu.memory_space<hbm>>
      %dma_start3A_246 = tpu.memref_squeeze %dma_start3A_245 : memref<1x40x125xi32, #tpu.memory_space<hbm>> -> memref<40x125xi32, #tpu.memory_space<hbm>>
      %dma_start3A_247 = arith.constant 0 : i32
      %dma_start3A_248 = arith.constant 0 : i32
      %dma_start3A_249 = tpu.memref_slice %arg4[%add3A, %dma_start3A_247, %dma_start3A_248] : memref<32x80x125xi32, #tpu.memory_space<hbm>> -> memref<1x40x125xi32, #tpu.memory_space<hbm>>
      %dma_start3A_250 = tpu.memref_squeeze %dma_start3A_249 : memref<1x40x125xi32, #tpu.memory_space<hbm>> -> memref<40x125xi32, #tpu.memory_space<hbm>>
      tpu.enqueue_dma source(%dma_start3A_250 : memref<40x125xi32, #tpu.memory_space<hbm>>) target(%arg8 : memref<40x125xi32, #tpu.memory_space<vmem>>) target_semaphore(%run_scoped3A : memref<!tpu.dma_semaphore, #tpu.memory_space<semaphore_mem>>)
      %dma_wait3A_251 = arith.constant 0 : i32
      %dma_wait3A_252 = arith.constant 0 : i32
      %dma_wait3A_253 = tpu.memref_slice %arg4[%add3A, %dma_wait3A_251, %dma_wait3A_252] : memref<32x80x125xi32, #tpu.memory_space<hbm>> -> memref<1x40x125xi32, #tpu.memory_space<hbm>>
      %dma_wait3A_254 = tpu.memref_squeeze %dma_wait3A_253 : memref<1x40x125xi32, #tpu.memory_space<hbm>> -> memref<40x125xi32, #tpu.memory_space<hbm>>
      %dma_wait3A_255 = arith.constant 0 : i32
      %dma_wait3A_256 = arith.constant 0 : i32
      %dma_wait3A_257 = tpu.memref_slice %arg4[%add3A, %dma_wait3A_255, %dma_wait3A_256] : memref<32x80x125xi32, #tpu.memory_space<hbm>> -> memref<1x40x125xi32, #tpu.memory_space<hbm>>
      %dma_wait3A_258 = tpu.memref_squeeze %dma_wait3A_257 : memref<1x40x125xi32, #tpu.memory_space<hbm>> -> memref<40x125xi32, #tpu.memory_space<hbm>>
      tpu.wait_dma2 semaphore(%run_scoped3A : memref<!tpu.dma_semaphore, #tpu.memory_space<semaphore_mem>>) src(%dma_wait3A_258 : memref<40x125xi32, #tpu.memory_space<hbm>>) dst(%arg8 : memref<40x125xi32, #tpu.memory_space<vmem>>)
      tpu.yield
    }) : () -> ()
    %dma_start3A = arith.constant 0 : i32
    %dma_start3A_5 = arith.constant 0 : i32
    %dma_start3A_6 = tpu.memref_slice %arg7[%dma_start3A, %dma_start3A_5] : memref<40x125xi32, #tpu.memory_space<vmem>> -> memref<1x125xi32, #tpu.memory_space<vmem>>
    %dma_start3A_7 = tpu.memref_squeeze %dma_start3A_6 : memref<1x125xi32, #tpu.memory_space<vmem>> -> memref<125xi32, #tpu.memory_space<vmem>>
    %dma_start3A_8 = arith.constant 0 : i32
    %dma_start3A_9 = arith.constant 0 : i32
    %dma_start3A_10 = tpu.memref_slice %arg2[%dma_start3A_8, %dma_start3A_9] : memref<10000x128xf32, #tpu.memory_space<hbm>> -> memref<10000x128xf32, #tpu.memory_space<hbm>>
    tpu.enqueue_indirect_dma source(%dma_start3A_10 : memref<10000x128xf32, #tpu.memory_space<hbm>>) target(%arg9 : memref<125x128xf32, #tpu.memory_space<vmem>>) offsets(%dma_start3A_7 : memref<125xi32, #tpu.memory_space<vmem>>) semaphore(%arg11 : memref<!tpu.dma_semaphore, #tpu.memory_space<semaphore_mem>>)
    %dma_wait3A = arith.constant 0 : i32
    %dma_wait3A_11 = arith.constant 0 : i32
    %dma_wait3A_12 = tpu.memref_slice %arg7[%dma_wait3A, %dma_wait3A_11] : memref<40x125xi32, #tpu.memory_space<vmem>> -> memref<1x125xi32, #tpu.memory_space<vmem>>
    %dma_wait3A_13 = tpu.memref_squeeze %dma_wait3A_12 : memref<1x125xi32, #tpu.memory_space<vmem>> -> memref<125xi32, #tpu.memory_space<vmem>>
    %dma_wait3A_14 = arith.constant 0 : i32
    %dma_wait3A_15 = arith.constant 0 : i32
    %dma_wait3A_16 = tpu.memref_slice %arg2[%dma_wait3A_14, %dma_wait3A_15] : memref<10000x128xf32, #tpu.memory_space<hbm>> -> memref<10000x128xf32, #tpu.memory_space<hbm>>
    tpu.wait_indirect_dma semaphore(%arg11 : memref<!tpu.dma_semaphore, #tpu.memory_space<semaphore_mem>>) src(%dma_wait3A_16 : memref<10000x128xf32, #tpu.memory_space<hbm>>) dst(%arg9 : memref<125x128xf32, #tpu.memory_space<vmem>>)
    %dma_start3A_17 = arith.constant 0 : i32
    %dma_start3A_18 = arith.constant 0 : i32
    %dma_start3A_19 = tpu.memref_slice %arg8[%dma_start3A_17, %dma_start3A_18] : memref<40x125xi32, #tpu.memory_space<vmem>> -> memref<1x125xi32, #tpu.memory_space<vmem>>
    %dma_start3A_20 = tpu.memref_squeeze %dma_start3A_19 : memref<1x125xi32, #tpu.memory_space<vmem>> -> memref<125xi32, #tpu.memory_space<vmem>>
    %dma_start3A_21 = arith.constant 0 : i32
    %dma_start3A_22 = arith.constant 0 : i32
    %dma_start3A_23 = tpu.memref_slice %arg15[%dma_start3A_21, %dma_start3A_22] : memref<10240x128xf32, #tpu.memory_space<vmem_shared>> -> memref<10240x128xf32, #tpu.memory_space<vmem_shared>>
    tpu.enqueue_indirect_dma source(%arg9 : memref<125x128xf32, #tpu.memory_space<vmem>>) target(%dma_start3A_23 : memref<10240x128xf32, #tpu.memory_space<vmem_shared>>) offsets(%dma_start3A_20 : memref<125xi32, #tpu.memory_space<vmem>>) semaphore(%arg13 : memref<!tpu.dma_semaphore, #tpu.memory_space<semaphore_mem>>) {add = true}
    %dma_start3A_24 = arith.constant 1 : i32
    %dma_start3A_25 = arith.constant 0 : i32
    %dma_start3A_26 = tpu.memref_slice %arg7[%dma_start3A_24, %dma_start3A_25] : memref<40x125xi32, #tpu.memory_space<vmem>> -> memref<1x125xi32, #tpu.memory_space<vmem>>
    %dma_start3A_27 = tpu.memref_squeeze %dma_start3A_26 : memref<1x125xi32, #tpu.memory_space<vmem>> -> memref<125xi32, #tpu.memory_space<vmem>>
    %dma_start3A_28 = arith.constant 0 : i32
    %dma_start3A_29 = arith.constant 0 : i32
    %dma_start3A_30 = tpu.memref_slice %arg2[%dma_start3A_28, %dma_start3A_29] : memref<10000x128xf32, #tpu.memory_space<hbm>> -> memref<10000x128xf32, #tpu.memory_space<hbm>>
    tpu.enqueue_indirect_dma source(%dma_start3A_30 : memref<10000x128xf32, #tpu.memory_space<hbm>>) target(%arg10 : memref<125x128xf32, #tpu.memory_space<vmem>>) offsets(%dma_start3A_27 : memref<125xi32, #tpu.memory_space<vmem>>) semaphore(%arg12 : memref<!tpu.dma_semaphore, #tpu.memory_space<semaphore_mem>>)
    %dma_wait3A_31 = arith.constant 1 : i32
    %dma_wait3A_32 = arith.constant 0 : i32
    %dma_wait3A_33 = tpu.memref_slice %arg7[%dma_wait3A_31, %dma_wait3A_32] : memref<40x125xi32, #tpu.memory_space<vmem>> -> memref<1x125xi32, #tpu.memory_space<vmem>>
    %dma_wait3A_34 = tpu.memref_squeeze %dma_wait3A_33 : memref<1x125xi32, #tpu.memory_space<vmem>> -> memref<125xi32, #tpu.memory_space<vmem>>
    %dma_wait3A_35 = arith.constant 0 : i32
    %dma_wait3A_36 = arith.constant 0 : i32
    %dma_wait3A_37 = tpu.memref_slice %arg2[%dma_wait3A_35, %dma_wait3A_36] : memref<10000x128xf32, #tpu.memory_space<hbm>> -> memref<10000x128xf32, #tpu.memory_space<hbm>>
    tpu.wait_indirect_dma semaphore(%arg12 : memref<!tpu.dma_semaphore, #tpu.memory_space<semaphore_mem>>) src(%dma_wait3A_37 : memref<10000x128xf32, #tpu.memory_space<hbm>>) dst(%arg10 : memref<125x128xf32, #tpu.memory_space<vmem>>)
    %dma_start3A_38 = arith.constant 1 : i32
    %dma_start3A_39 = arith.constant 0 : i32
    %dma_start3A_40 = tpu.memref_slice %arg8[%dma_start3A_38, %dma_start3A_39] : memref<40x125xi32, #tpu.memory_space<vmem>> -> memref<1x125xi32, #tpu.memory_space<vmem>>
    %dma_start3A_41 = tpu.memref_squeeze %dma_start3A_40 : memref<1x125xi32, #tpu.memory_space<vmem>> -> memref<125xi32, #tpu.memory_space<vmem>>
    %dma_start3A_42 = arith.constant 0 : i32
    %dma_start3A_43 = arith.constant 0 : i32
    %dma_start3A_44 = tpu.memref_slice %arg15[%dma_start3A_42, %dma_start3A_43] : memref<10240x128xf32, #tpu.memory_space<vmem_shared>> -> memref<10240x128xf32, #tpu.memory_space<vmem_shared>>
    tpu.enqueue_indirect_dma source(%arg10 : memref<125x128xf32, #tpu.memory_space<vmem>>) target(%dma_start3A_44 : memref<10240x128xf32, #tpu.memory_space<vmem_shared>>) offsets(%dma_start3A_41 : memref<125xi32, #tpu.memory_space<vmem>>) semaphore(%arg14 : memref<!tpu.dma_semaphore, #tpu.memory_space<semaphore_mem>>) {add = true}
    %dma_wait3A_45 = arith.constant 0 : i32
    %dma_wait3A_46 = arith.constant 0 : i32
    %dma_wait3A_47 = tpu.memref_slice %arg8[%dma_wait3A_45, %dma_wait3A_46] : memref<40x125xi32, #tpu.memory_space<vmem>> -> memref<1x125xi32, #tpu.memory_space<vmem>>
    %dma_wait3A_48 = tpu.memref_squeeze %dma_wait3A_47 : memref<1x125xi32, #tpu.memory_space<vmem>> -> memref<125xi32, #tpu.memory_space<vmem>>
    %dma_wait3A_49 = arith.constant 0 : i32
    %dma_wait3A_50 = arith.constant 0 : i32
    %dma_wait3A_51 = tpu.memref_slice %arg15[%dma_wait3A_49, %dma_wait3A_50] : memref<10240x128xf32, #tpu.memory_space<vmem_shared>> -> memref<10240x128xf32, #tpu.memory_space<vmem_shared>>
    tpu.wait_indirect_dma semaphore(%arg13 : memref<!tpu.dma_semaphore, #tpu.memory_space<semaphore_mem>>) src(%arg9 : memref<125x128xf32, #tpu.memory_space<vmem>>) dst(%dma_wait3A_51 : memref<10240x128xf32, #tpu.memory_space<vmem_shared>>)
    %dma_start3A_52 = arith.constant 2 : i32
    %dma_start3A_53 = arith.constant 0 : i32
    %dma_start3A_54 = tpu.memref_slice %arg7[%dma_start3A_52, %dma_start3A_53] : memref<40x125xi32, #tpu.memory_space<vmem>> -> memref<1x125xi32, #tpu.memory_space<vmem>>
    %dma_start3A_55 = tpu.memref_squeeze %dma_start3A_54 : memref<1x125xi32, #tpu.memory_space<vmem>> -> memref<125xi32, #tpu.memory_space<vmem>>
    %dma_start3A_56 = arith.constant 0 : i32
    %dma_start3A_57 = arith.constant 0 : i32
    %dma_start3A_58 = tpu.memref_slice %arg2[%dma_start3A_56, %dma_start3A_57] : memref<10000x128xf32, #tpu.memory_space<hbm>> -> memref<10000x128xf32, #tpu.memory_space<hbm>>
    tpu.enqueue_indirect_dma source(%dma_start3A_58 : memref<10000x128xf32, #tpu.memory_space<hbm>>) target(%arg9 : memref<125x128xf32, #tpu.memory_space<vmem>>) offsets(%dma_start3A_55 : memref<125xi32, #tpu.memory_space<vmem>>) semaphore(%arg11 : memref<!tpu.dma_semaphore, #tpu.memory_space<semaphore_mem>>)
    %scan3A = arith.constant 0 : i32
    %scan3A_59 = arith.constant 1 : i32
    %scan3A_60 = arith.constant 18 : i32
    %scan3A_61 = arith.addi %scan3A_59, %scan3A_60 : i32
    %scan3A_62 = arith.constant 1 : i32
    scf.for %scan3A_243 = %scan3A_59 to %scan3A_61 step %scan3A_62  : i32 {
      %mul3A_244 = arith.constant 2 : i32
      %mul3A_245 = arith.muli %mul3A_244, %scan3A_243 : i32
      %dma_wait3A_246 = arith.constant 0 : i32
      %dma_wait3A_247 = tpu.memref_slice %arg7[%mul3A_245, %dma_wait3A_246] : memref<40x125xi32, #tpu.memory_space<vmem>> -> memref<1x125xi32, #tpu.memory_space<vmem>>
      %dma_wait3A_248 = tpu.memref_squeeze %dma_wait3A_247 : memref<1x125xi32, #tpu.memory_space<vmem>> -> memref<125xi32, #tpu.memory_space<vmem>>
      %dma_wait3A_249 = arith.constant 0 : i32
      %dma_wait3A_250 = arith.constant 0 : i32
      %dma_wait3A_251 = tpu.memref_slice %arg2[%dma_wait3A_249, %dma_wait3A_250] : memref<10000x128xf32, #tpu.memory_space<hbm>> -> memref<10000x128xf32, #tpu.memory_space<hbm>>
      tpu.wait_indirect_dma semaphore(%arg11 : memref<!tpu.dma_semaphore, #tpu.memory_space<semaphore_mem>>) src(%dma_wait3A_251 : memref<10000x128xf32, #tpu.memory_space<hbm>>) dst(%arg9 : memref<125x128xf32, #tpu.memory_space<vmem>>)
      %dma_start3A_252 = arith.constant 0 : i32
      %dma_start3A_253 = tpu.memref_slice %arg8[%mul3A_245, %dma_start3A_252] : memref<40x125xi32, #tpu.memory_space<vmem>> -> memref<1x125xi32, #tpu.memory_space<vmem>>
      %dma_start3A_254 = tpu.memref_squeeze %dma_start3A_253 : memref<1x125xi32, #tpu.memory_space<vmem>> -> memref<125xi32, #tpu.memory_space<vmem>>
      %dma_start3A_255 = arith.constant 0 : i32
      %dma_start3A_256 = arith.constant 0 : i32
      %dma_start3A_257 = tpu.memref_slice %arg15[%dma_start3A_255, %dma_start3A_256] : memref<10240x128xf32, #tpu.memory_space<vmem_shared>> -> memref<10240x128xf32, #tpu.memory_space<vmem_shared>>
      tpu.enqueue_indirect_dma source(%arg9 : memref<125x128xf32, #tpu.memory_space<vmem>>) target(%dma_start3A_257 : memref<10240x128xf32, #tpu.memory_space<vmem_shared>>) offsets(%dma_start3A_254 : memref<125xi32, #tpu.memory_space<vmem>>) semaphore(%arg13 : memref<!tpu.dma_semaphore, #tpu.memory_space<semaphore_mem>>) {add = true}
      %sub3A = arith.constant 1 : i32
      %sub3A_258 = arith.subi %mul3A_245, %sub3A : i32
      %dma_wait3A_259 = arith.constant 0 : i32
      %dma_wait3A_260 = tpu.memref_slice %arg8[%sub3A_258, %dma_wait3A_259] : memref<40x125xi32, #tpu.memory_space<vmem>> -> memref<1x125xi32, #tpu.memory_space<vmem>>
      %dma_wait3A_261 = tpu.memref_squeeze %dma_wait3A_260 : memref<1x125xi32, #tpu.memory_space<vmem>> -> memref<125xi32, #tpu.memory_space<vmem>>
      %dma_wait3A_262 = arith.constant 0 : i32
      %dma_wait3A_263 = arith.constant 0 : i32
      %dma_wait3A_264 = tpu.memref_slice %arg15[%dma_wait3A_262, %dma_wait3A_263] : memref<10240x128xf32, #tpu.memory_space<vmem_shared>> -> memref<10240x128xf32, #tpu.memory_space<vmem_shared>>
      tpu.wait_indirect_dma semaphore(%arg14 : memref<!tpu.dma_semaphore, #tpu.memory_space<semaphore_mem>>) src(%arg10 : memref<125x128xf32, #tpu.memory_space<vmem>>) dst(%dma_wait3A_264 : memref<10240x128xf32, #tpu.memory_space<vmem_shared>>)
      %add3A_265 = arith.constant 1 : i32
      %add3A_266 = arith.addi %mul3A_245, %add3A_265 : i32
      %dma_start3A_267 = arith.constant 0 : i32
      %dma_start3A_268 = tpu.memref_slice %arg7[%add3A_266, %dma_start3A_267] : memref<40x125xi32, #tpu.memory_space<vmem>> -> memref<1x125xi32, #tpu.memory_space<vmem>>
      %dma_start3A_269 = tpu.memref_squeeze %dma_start3A_268 : memref<1x125xi32, #tpu.memory_space<vmem>> -> memref<125xi32, #tpu.memory_space<vmem>>
      %dma_start3A_270 = arith.constant 0 : i32
      %dma_start3A_271 = arith.constant 0 : i32
      %dma_start3A_272 = tpu.memref_slice %arg2[%dma_start3A_270, %dma_start3A_271] : memref<10000x128xf32, #tpu.memory_space<hbm>> -> memref<10000x128xf32, #tpu.memory_space<hbm>>
      tpu.enqueue_indirect_dma source(%dma_start3A_272 : memref<10000x128xf32, #tpu.memory_space<hbm>>) target(%arg10 : memref<125x128xf32, #tpu.memory_space<vmem>>) offsets(%dma_start3A_269 : memref<125xi32, #tpu.memory_space<vmem>>) semaphore(%arg12 : memref<!tpu.dma_semaphore, #tpu.memory_space<semaphore_mem>>)
      %add3A_273 = arith.constant 1 : i32
      %add3A_274 = arith.addi %mul3A_245, %add3A_273 : i32
      %dma_wait3A_275 = arith.constant 0 : i32
      %dma_wait3A_276 = tpu.memref_slice %arg7[%add3A_274, %dma_wait3A_275] : memref<40x125xi32, #tpu.memory_space<vmem>> -> memref<1x125xi32, #tpu.memory_space<vmem>>
      %dma_wait3A_277 = tpu.memref_squeeze %dma_wait3A_276 : memref<1x125xi32, #tpu.memory_space<vmem>> -> memref<125xi32, #tpu.memory_space<vmem>>
      %dma_wait3A_278 = arith.constant 0 : i32
      %dma_wait3A_279 = arith.constant 0 : i32
      %dma_wait3A_280 = tpu.memref_slice %arg2[%dma_wait3A_278, %dma_wait3A_279] : memref<10000x128xf32, #tpu.memory_space<hbm>> -> memref<10000x128xf32, #tpu.memory_space<hbm>>
      tpu.wait_indirect_dma semaphore(%arg12 : memref<!tpu.dma_semaphore, #tpu.memory_space<semaphore_mem>>) src(%dma_wait3A_280 : memref<10000x128xf32, #tpu.memory_space<hbm>>) dst(%arg10 : memref<125x128xf32, #tpu.memory_space<vmem>>)
      %add3A_281 = arith.constant 1 : i32
      %add3A_282 = arith.addi %mul3A_245, %add3A_281 : i32
      %dma_start3A_283 = arith.constant 0 : i32
      %dma_start3A_284 = tpu.memref_slice %arg8[%add3A_282, %dma_start3A_283] : memref<40x125xi32, #tpu.memory_space<vmem>> -> memref<1x125xi32, #tpu.memory_space<vmem>>
      %dma_start3A_285 = tpu.memref_squeeze %dma_start3A_284 : memref<1x125xi32, #tpu.memory_space<vmem>> -> memref<125xi32, #tpu.memory_space<vmem>>
      %dma_start3A_286 = arith.constant 0 : i32
      %dma_start3A_287 = arith.constant 0 : i32
      %dma_start3A_288 = tpu.memref_slice %arg15[%dma_start3A_286, %dma_start3A_287] : memref<10240x128xf32, #tpu.memory_space<vmem_shared>> -> memref<10240x128xf32, #tpu.memory_space<vmem_shared>>
      tpu.enqueue_indirect_dma source(%arg10 : memref<125x128xf32, #tpu.memory_space<vmem>>) target(%dma_start3A_288 : memref<10240x128xf32, #tpu.memory_space<vmem_shared>>) offsets(%dma_start3A_285 : memref<125xi32, #tpu.memory_space<vmem>>) semaphore(%arg14 : memref<!tpu.dma_semaphore, #tpu.memory_space<semaphore_mem>>) {add = true}
      %dma_wait3A_289 = arith.constant 0 : i32
      %dma_wait3A_290 = tpu.memref_slice %arg8[%mul3A_245, %dma_wait3A_289] : memref<40x125xi32, #tpu.memory_space<vmem>> -> memref<1x125xi32, #tpu.memory_space<vmem>>
      %dma_wait3A_291 = tpu.memref_squeeze %dma_wait3A_290 : memref<1x125xi32, #tpu.memory_space<vmem>> -> memref<125xi32, #tpu.memory_space<vmem>>
      %dma_wait3A_292 = arith.constant 0 : i32
      %dma_wait3A_293 = arith.constant 0 : i32
      %dma_wait3A_294 = tpu.memref_slice %arg15[%dma_wait3A_292, %dma_wait3A_293] : memref<10240x128xf32, #tpu.memory_space<vmem_shared>> -> memref<10240x128xf32, #tpu.memory_space<vmem_shared>>
      tpu.wait_indirect_dma semaphore(%arg13 : memref<!tpu.dma_semaphore, #tpu.memory_space<semaphore_mem>>) src(%arg9 : memref<125x128xf32, #tpu.memory_space<vmem>>) dst(%dma_wait3A_294 : memref<10240x128xf32, #tpu.memory_space<vmem_shared>>)
      %add3A_295 = arith.constant 2 : i32
      %add3A_296 = arith.addi %mul3A_245, %add3A_295 : i32
      %dma_start3A_297 = arith.constant 0 : i32
      %dma_start3A_298 = tpu.memref_slice %arg7[%add3A_296, %dma_start3A_297] : memref<40x125xi32, #tpu.memory_space<vmem>> -> memref<1x125xi32, #tpu.memory_space<vmem>>
      %dma_start3A_299 = tpu.memref_squeeze %dma_start3A_298 : memref<1x125xi32, #tpu.memory_space<vmem>> -> memref<125xi32, #tpu.memory_space<vmem>>
      %dma_start3A_300 = arith.constant 0 : i32
      %dma_start3A_301 = arith.constant 0 : i32
      %dma_start3A_302 = tpu.memref_slice %arg2[%dma_start3A_300, %dma_start3A_301] : memref<10000x128xf32, #tpu.memory_space<hbm>> -> memref<10000x128xf32, #tpu.memory_space<hbm>>
      tpu.enqueue_indirect_dma source(%dma_start3A_302 : memref<10000x128xf32, #tpu.memory_space<hbm>>) target(%arg9 : memref<125x128xf32, #tpu.memory_space<vmem>>) offsets(%dma_start3A_299 : memref<125xi32, #tpu.memory_space<vmem>>) semaphore(%arg11 : memref<!tpu.dma_semaphore, #tpu.memory_space<semaphore_mem>>)
    }
    %scan3A_63 = arith.constant 18 : i32
    %dma_wait3A_64 = arith.constant 38 : i32
    %dma_wait3A_65 = arith.constant 0 : i32
    %dma_wait3A_66 = tpu.memref_slice %arg7[%dma_wait3A_64, %dma_wait3A_65] : memref<40x125xi32, #tpu.memory_space<vmem>> -> memref<1x125xi32, #tpu.memory_space<vmem>>
    %dma_wait3A_67 = tpu.memref_squeeze %dma_wait3A_66 : memref<1x125xi32, #tpu.memory_space<vmem>> -> memref<125xi32, #tpu.memory_space<vmem>>
    %dma_wait3A_68 = arith.constant 0 : i32
    %dma_wait3A_69 = arith.constant 0 : i32
    %dma_wait3A_70 = tpu.memref_slice %arg2[%dma_wait3A_68, %dma_wait3A_69] : memref<10000x128xf32, #tpu.memory_space<hbm>> -> memref<10000x128xf32, #tpu.memory_space<hbm>>
    tpu.wait_indirect_dma semaphore(%arg11 : memref<!tpu.dma_semaphore, #tpu.memory_space<semaphore_mem>>) src(%dma_wait3A_70 : memref<10000x128xf32, #tpu.memory_space<hbm>>) dst(%arg9 : memref<125x128xf32, #tpu.memory_space<vmem>>)
    %dma_start3A_71 = arith.constant 38 : i32
    %dma_start3A_72 = arith.constant 0 : i32
    %dma_start3A_73 = tpu.memref_slice %arg8[%dma_start3A_71, %dma_start3A_72] : memref<40x125xi32, #tpu.memory_space<vmem>> -> memref<1x125xi32, #tpu.memory_space<vmem>>
    %dma_start3A_74 = tpu.memref_squeeze %dma_start3A_73 : memref<1x125xi32, #tpu.memory_space<vmem>> -> memref<125xi32, #tpu.memory_space<vmem>>
    %dma_start3A_75 = arith.constant 0 : i32
    %dma_start3A_76 = arith.constant 0 : i32
    %dma_start3A_77 = tpu.memref_slice %arg15[%dma_start3A_75, %dma_start3A_76] : memref<10240x128xf32, #tpu.memory_space<vmem_shared>> -> memref<10240x128xf32, #tpu.memory_space<vmem_shared>>
    tpu.enqueue_indirect_dma source(%arg9 : memref<125x128xf32, #tpu.memory_space<vmem>>) target(%dma_start3A_77 : memref<10240x128xf32, #tpu.memory_space<vmem_shared>>) offsets(%dma_start3A_74 : memref<125xi32, #tpu.memory_space<vmem>>) semaphore(%arg13 : memref<!tpu.dma_semaphore, #tpu.memory_space<semaphore_mem>>) {add = true}
    %dma_wait3A_78 = arith.constant 37 : i32
    %dma_wait3A_79 = arith.constant 0 : i32
    %dma_wait3A_80 = tpu.memref_slice %arg8[%dma_wait3A_78, %dma_wait3A_79] : memref<40x125xi32, #tpu.memory_space<vmem>> -> memref<1x125xi32, #tpu.memory_space<vmem>>
    %dma_wait3A_81 = tpu.memref_squeeze %dma_wait3A_80 : memref<1x125xi32, #tpu.memory_space<vmem>> -> memref<125xi32, #tpu.memory_space<vmem>>
    %dma_wait3A_82 = arith.constant 0 : i32
    %dma_wait3A_83 = arith.constant 0 : i32
    %dma_wait3A_84 = tpu.memref_slice %arg15[%dma_wait3A_82, %dma_wait3A_83] : memref<10240x128xf32, #tpu.memory_space<vmem_shared>> -> memref<10240x128xf32, #tpu.memory_space<vmem_shared>>
    tpu.wait_indirect_dma semaphore(%arg14 : memref<!tpu.dma_semaphore, #tpu.memory_space<semaphore_mem>>) src(%arg10 : memref<125x128xf32, #tpu.memory_space<vmem>>) dst(%dma_wait3A_84 : memref<10240x128xf32, #tpu.memory_space<vmem_shared>>)
    %dma_start3A_85 = arith.constant 39 : i32
    %dma_start3A_86 = arith.constant 0 : i32
    %dma_start3A_87 = tpu.memref_slice %arg7[%dma_start3A_85, %dma_start3A_86] : memref<40x125xi32, #tpu.memory_space<vmem>> -> memref<1x125xi32, #tpu.memory_space<vmem>>
    %dma_start3A_88 = tpu.memref_squeeze %dma_start3A_87 : memref<1x125xi32, #tpu.memory_space<vmem>> -> memref<125xi32, #tpu.memory_space<vmem>>
    %dma_start3A_89 = arith.constant 0 : i32
    %dma_start3A_90 = arith.constant 0 : i32
    %dma_start3A_91 = tpu.memref_slice %arg2[%dma_start3A_89, %dma_start3A_90] : memref<10000x128xf32, #tpu.memory_space<hbm>> -> memref<10000x128xf32, #tpu.memory_space<hbm>>
    tpu.enqueue_indirect_dma source(%dma_start3A_91 : memref<10000x128xf32, #tpu.memory_space<hbm>>) target(%arg10 : memref<125x128xf32, #tpu.memory_space<vmem>>) offsets(%dma_start3A_88 : memref<125xi32, #tpu.memory_space<vmem>>) semaphore(%arg12 : memref<!tpu.dma_semaphore, #tpu.memory_space<semaphore_mem>>)
    %dma_wait3A_92 = arith.constant 39 : i32
    %dma_wait3A_93 = arith.constant 0 : i32
    %dma_wait3A_94 = tpu.memref_slice %arg7[%dma_wait3A_92, %dma_wait3A_93] : memref<40x125xi32, #tpu.memory_space<vmem>> -> memref<1x125xi32, #tpu.memory_space<vmem>>
    %dma_wait3A_95 = tpu.memref_squeeze %dma_wait3A_94 : memref<1x125xi32, #tpu.memory_space<vmem>> -> memref<125xi32, #tpu.memory_space<vmem>>
    %dma_wait3A_96 = arith.constant 0 : i32
    %dma_wait3A_97 = arith.constant 0 : i32
    %dma_wait3A_98 = tpu.memref_slice %arg2[%dma_wait3A_96, %dma_wait3A_97] : memref<10000x128xf32, #tpu.memory_space<hbm>> -> memref<10000x128xf32, #tpu.memory_space<hbm>>
    tpu.wait_indirect_dma semaphore(%arg12 : memref<!tpu.dma_semaphore, #tpu.memory_space<semaphore_mem>>) src(%dma_wait3A_98 : memref<10000x128xf32, #tpu.memory_space<hbm>>) dst(%arg10 : memref<125x128xf32, #tpu.memory_space<vmem>>)
    %dma_start3A_99 = arith.constant 39 : i32
    %dma_start3A_100 = arith.constant 0 : i32
    %dma_start3A_101 = tpu.memref_slice %arg8[%dma_start3A_99, %dma_start3A_100] : memref<40x125xi32, #tpu.memory_space<vmem>> -> memref<1x125xi32, #tpu.memory_space<vmem>>
    %dma_start3A_102 = tpu.memref_squeeze %dma_start3A_101 : memref<1x125xi32, #tpu.memory_space<vmem>> -> memref<125xi32, #tpu.memory_space<vmem>>
    %dma_start3A_103 = arith.constant 0 : i32
    %dma_start3A_104 = arith.constant 0 : i32
    %dma_start3A_105 = tpu.memref_slice %arg15[%dma_start3A_103, %dma_start3A_104] : memref<10240x128xf32, #tpu.memory_space<vmem_shared>> -> memref<10240x128xf32, #tpu.memory_space<vmem_shared>>
    tpu.enqueue_indirect_dma source(%arg10 : memref<125x128xf32, #tpu.memory_space<vmem>>) target(%dma_start3A_105 : memref<10240x128xf32, #tpu.memory_space<vmem_shared>>) offsets(%dma_start3A_102 : memref<125xi32, #tpu.memory_space<vmem>>) semaphore(%arg14 : memref<!tpu.dma_semaphore, #tpu.memory_space<semaphore_mem>>) {add = true}
    %dma_wait3A_106 = arith.constant 38 : i32
    %dma_wait3A_107 = arith.constant 0 : i32
    %dma_wait3A_108 = tpu.memref_slice %arg8[%dma_wait3A_106, %dma_wait3A_107] : memref<40x125xi32, #tpu.memory_space<vmem>> -> memref<1x125xi32, #tpu.memory_space<vmem>>
    %dma_wait3A_109 = tpu.memref_squeeze %dma_wait3A_108 : memref<1x125xi32, #tpu.memory_space<vmem>> -> memref<125xi32, #tpu.memory_space<vmem>>
    %dma_wait3A_110 = arith.constant 0 : i32
    %dma_wait3A_111 = arith.constant 0 : i32
    %dma_wait3A_112 = tpu.memref_slice %arg15[%dma_wait3A_110, %dma_wait3A_111] : memref<10240x128xf32, #tpu.memory_space<vmem_shared>> -> memref<10240x128xf32, #tpu.memory_space<vmem_shared>>
    tpu.wait_indirect_dma semaphore(%arg13 : memref<!tpu.dma_semaphore, #tpu.memory_space<semaphore_mem>>) src(%arg9 : memref<125x128xf32, #tpu.memory_space<vmem>>) dst(%dma_wait3A_112 : memref<10240x128xf32, #tpu.memory_space<vmem_shared>>)
    %dma_wait3A_113 = arith.constant 39 : i32
    %dma_wait3A_114 = arith.constant 0 : i32
    %dma_wait3A_115 = tpu.memref_slice %arg8[%dma_wait3A_113, %dma_wait3A_114] : memref<40x125xi32, #tpu.memory_space<vmem>> -> memref<1x125xi32, #tpu.memory_space<vmem>>
    %dma_wait3A_116 = tpu.memref_squeeze %dma_wait3A_115 : memref<1x125xi32, #tpu.memory_space<vmem>> -> memref<125xi32, #tpu.memory_space<vmem>>
    %dma_wait3A_117 = arith.constant 0 : i32
    %dma_wait3A_118 = arith.constant 0 : i32
    %dma_wait3A_119 = tpu.memref_slice %arg15[%dma_wait3A_117, %dma_wait3A_118] : memref<10240x128xf32, #tpu.memory_space<vmem_shared>> -> memref<10240x128xf32, #tpu.memory_space<vmem_shared>>
    tpu.wait_indirect_dma semaphore(%arg14 : memref<!tpu.dma_semaphore, #tpu.memory_space<semaphore_mem>>) src(%arg10 : memref<125x128xf32, #tpu.memory_space<vmem>>) dst(%dma_wait3A_119 : memref<10240x128xf32, #tpu.memory_space<vmem_shared>>)
    "tpu.region"() ({
      %run_scoped3A = tpu.sem_alloc : memref<!tpu.dma_semaphore, #tpu.memory_space<semaphore_mem>>
      %dma_start3A_243 = arith.constant 40 : i32
      %dma_start3A_244 = arith.constant 0 : i32
      %dma_start3A_245 = tpu.memref_slice %arg3[%add3A, %dma_start3A_243, %dma_start3A_244] : memref<32x80x125xi32, #tpu.memory_space<hbm>> -> memref<1x40x125xi32, #tpu.memory_space<hbm>>
      %dma_start3A_246 = tpu.memref_squeeze %dma_start3A_245 : memref<1x40x125xi32, #tpu.memory_space<hbm>> -> memref<40x125xi32, #tpu.memory_space<hbm>>
      %dma_start3A_247 = arith.constant 40 : i32
      %dma_start3A_248 = arith.constant 0 : i32
      %dma_start3A_249 = tpu.memref_slice %arg3[%add3A, %dma_start3A_247, %dma_start3A_248] : memref<32x80x125xi32, #tpu.memory_space<hbm>> -> memref<1x40x125xi32, #tpu.memory_space<hbm>>
      %dma_start3A_250 = tpu.memref_squeeze %dma_start3A_249 : memref<1x40x125xi32, #tpu.memory_space<hbm>> -> memref<40x125xi32, #tpu.memory_space<hbm>>
      tpu.enqueue_dma source(%dma_start3A_250 : memref<40x125xi32, #tpu.memory_space<hbm>>) target(%arg7 : memref<40x125xi32, #tpu.memory_space<vmem>>) target_semaphore(%run_scoped3A : memref<!tpu.dma_semaphore, #tpu.memory_space<semaphore_mem>>)
      %dma_wait3A_251 = arith.constant 40 : i32
      %dma_wait3A_252 = arith.constant 0 : i32
      %dma_wait3A_253 = tpu.memref_slice %arg3[%add3A, %dma_wait3A_251, %dma_wait3A_252] : memref<32x80x125xi32, #tpu.memory_space<hbm>> -> memref<1x40x125xi32, #tpu.memory_space<hbm>>
      %dma_wait3A_254 = tpu.memref_squeeze %dma_wait3A_253 : memref<1x40x125xi32, #tpu.memory_space<hbm>> -> memref<40x125xi32, #tpu.memory_space<hbm>>
      %dma_wait3A_255 = arith.constant 40 : i32
      %dma_wait3A_256 = arith.constant 0 : i32
      %dma_wait3A_257 = tpu.memref_slice %arg3[%add3A, %dma_wait3A_255, %dma_wait3A_256] : memref<32x80x125xi32, #tpu.memory_space<hbm>> -> memref<1x40x125xi32, #tpu.memory_space<hbm>>
      %dma_wait3A_258 = tpu.memref_squeeze %dma_wait3A_257 : memref<1x40x125xi32, #tpu.memory_space<hbm>> -> memref<40x125xi32, #tpu.memory_space<hbm>>
      tpu.wait_dma2 semaphore(%run_scoped3A : memref<!tpu.dma_semaphore, #tpu.memory_space<semaphore_mem>>) src(%dma_wait3A_258 : memref<40x125xi32, #tpu.memory_space<hbm>>) dst(%arg7 : memref<40x125xi32, #tpu.memory_space<vmem>>)
      tpu.yield
    }) : () -> ()
    "tpu.region"() ({
      %run_scoped3A = tpu.sem_alloc : memref<!tpu.dma_semaphore, #tpu.memory_space<semaphore_mem>>
      %dma_start3A_243 = arith.constant 40 : i32
      %dma_start3A_244 = arith.constant 0 : i32
      %dma_start3A_245 = tpu.memref_slice %arg4[%add3A, %dma_start3A_243, %dma_start3A_244] : memref<32x80x125xi32, #tpu.memory_space<hbm>> -> memref<1x40x125xi32, #tpu.memory_space<hbm>>
      %dma_start3A_246 = tpu.memref_squeeze %dma_start3A_245 : memref<1x40x125xi32, #tpu.memory_space<hbm>> -> memref<40x125xi32, #tpu.memory_space<hbm>>
      %dma_start3A_247 = arith.constant 40 : i32
      %dma_start3A_248 = arith.constant 0 : i32
      %dma_start3A_249 = tpu.memref_slice %arg4[%add3A, %dma_start3A_247, %dma_start3A_248] : memref<32x80x125xi32, #tpu.memory_space<hbm>> -> memref<1x40x125xi32, #tpu.memory_space<hbm>>
      %dma_start3A_250 = tpu.memref_squeeze %dma_start3A_249 : memref<1x40x125xi32, #tpu.memory_space<hbm>> -> memref<40x125xi32, #tpu.memory_space<hbm>>
      tpu.enqueue_dma source(%dma_start3A_250 : memref<40x125xi32, #tpu.memory_space<hbm>>) target(%arg8 : memref<40x125xi32, #tpu.memory_space<vmem>>) target_semaphore(%run_scoped3A : memref<!tpu.dma_semaphore, #tpu.memory_space<semaphore_mem>>)
      %dma_wait3A_251 = arith.constant 40 : i32
      %dma_wait3A_252 = arith.constant 0 : i32
      %dma_wait3A_253 = tpu.memref_slice %arg4[%add3A, %dma_wait3A_251, %dma_wait3A_252] : memref<32x80x125xi32, #tpu.memory_space<hbm>> -> memref<1x40x125xi32, #tpu.memory_space<hbm>>
      %dma_wait3A_254 = tpu.memref_squeeze %dma_wait3A_253 : memref<1x40x125xi32, #tpu.memory_space<hbm>> -> memref<40x125xi32, #tpu.memory_space<hbm>>
      %dma_wait3A_255 = arith.constant 40 : i32
      %dma_wait3A_256 = arith.constant 0 : i32
      %dma_wait3A_257 = tpu.memref_slice %arg4[%add3A, %dma_wait3A_255, %dma_wait3A_256] : memref<32x80x125xi32, #tpu.memory_space<hbm>> -> memref<1x40x125xi32, #tpu.memory_space<hbm>>
      %dma_wait3A_258 = tpu.memref_squeeze %dma_wait3A_257 : memref<1x40x125xi32, #tpu.memory_space<hbm>> -> memref<40x125xi32, #tpu.memory_space<hbm>>
      tpu.wait_dma2 semaphore(%run_scoped3A : memref<!tpu.dma_semaphore, #tpu.memory_space<semaphore_mem>>) src(%dma_wait3A_258 : memref<40x125xi32, #tpu.memory_space<hbm>>) dst(%arg8 : memref<40x125xi32, #tpu.memory_space<vmem>>)
      tpu.yield
    }) : () -> ()
    %dma_start3A_120 = arith.constant 0 : i32
    %dma_start3A_121 = arith.constant 0 : i32
    %dma_start3A_122 = tpu.memref_slice %arg7[%dma_start3A_120, %dma_start3A_121] : memref<40x125xi32, #tpu.memory_space<vmem>> -> memref<1x125xi32, #tpu.memory_space<vmem>>
    %dma_start3A_123 = tpu.memref_squeeze %dma_start3A_122 : memref<1x125xi32, #tpu.memory_space<vmem>> -> memref<125xi32, #tpu.memory_space<vmem>>
    %dma_start3A_124 = arith.constant 0 : i32
    %dma_start3A_125 = arith.constant 0 : i32
    %dma_start3A_126 = tpu.memref_slice %arg2[%dma_start3A_124, %dma_start3A_125] : memref<10000x128xf32, #tpu.memory_space<hbm>> -> memref<10000x128xf32, #tpu.memory_space<hbm>>
    tpu.enqueue_indirect_dma source(%dma_start3A_126 : memref<10000x128xf32, #tpu.memory_space<hbm>>) target(%arg9 : memref<125x128xf32, #tpu.memory_space<vmem>>) offsets(%dma_start3A_123 : memref<125xi32, #tpu.memory_space<vmem>>) semaphore(%arg11 : memref<!tpu.dma_semaphore, #tpu.memory_space<semaphore_mem>>)
    %dma_wait3A_127 = arith.constant 0 : i32
    %dma_wait3A_128 = arith.constant 0 : i32
    %dma_wait3A_129 = tpu.memref_slice %arg7[%dma_wait3A_127, %dma_wait3A_128] : memref<40x125xi32, #tpu.memory_space<vmem>> -> memref<1x125xi32, #tpu.memory_space<vmem>>
    %dma_wait3A_130 = tpu.memref_squeeze %dma_wait3A_129 : memref<1x125xi32, #tpu.memory_space<vmem>> -> memref<125xi32, #tpu.memory_space<vmem>>
    %dma_wait3A_131 = arith.constant 0 : i32
    %dma_wait3A_132 = arith.constant 0 : i32
    %dma_wait3A_133 = tpu.memref_slice %arg2[%dma_wait3A_131, %dma_wait3A_132] : memref<10000x128xf32, #tpu.memory_space<hbm>> -> memref<10000x128xf32, #tpu.memory_space<hbm>>
    tpu.wait_indirect_dma semaphore(%arg11 : memref<!tpu.dma_semaphore, #tpu.memory_space<semaphore_mem>>) src(%dma_wait3A_133 : memref<10000x128xf32, #tpu.memory_space<hbm>>) dst(%arg9 : memref<125x128xf32, #tpu.memory_space<vmem>>)
    %dma_start3A_134 = arith.constant 0 : i32
    %dma_start3A_135 = arith.constant 0 : i32
    %dma_start3A_136 = tpu.memref_slice %arg8[%dma_start3A_134, %dma_start3A_135] : memref<40x125xi32, #tpu.memory_space<vmem>> -> memref<1x125xi32, #tpu.memory_space<vmem>>
    %dma_start3A_137 = tpu.memref_squeeze %dma_start3A_136 : memref<1x125xi32, #tpu.memory_space<vmem>> -> memref<125xi32, #tpu.memory_space<vmem>>
    %dma_start3A_138 = arith.constant 0 : i32
    %dma_start3A_139 = arith.constant 0 : i32
    %dma_start3A_140 = tpu.memref_slice %arg15[%dma_start3A_138, %dma_start3A_139] : memref<10240x128xf32, #tpu.memory_space<vmem_shared>> -> memref<10240x128xf32, #tpu.memory_space<vmem_shared>>
    tpu.enqueue_indirect_dma source(%arg9 : memref<125x128xf32, #tpu.memory_space<vmem>>) target(%dma_start3A_140 : memref<10240x128xf32, #tpu.memory_space<vmem_shared>>) offsets(%dma_start3A_137 : memref<125xi32, #tpu.memory_space<vmem>>) semaphore(%arg13 : memref<!tpu.dma_semaphore, #tpu.memory_space<semaphore_mem>>) {add = true}
    %dma_start3A_141 = arith.constant 1 : i32
    %dma_start3A_142 = arith.constant 0 : i32
    %dma_start3A_143 = tpu.memref_slice %arg7[%dma_start3A_141, %dma_start3A_142] : memref<40x125xi32, #tpu.memory_space<vmem>> -> memref<1x125xi32, #tpu.memory_space<vmem>>
    %dma_start3A_144 = tpu.memref_squeeze %dma_start3A_143 : memref<1x125xi32, #tpu.memory_space<vmem>> -> memref<125xi32, #tpu.memory_space<vmem>>
    %dma_start3A_145 = arith.constant 0 : i32
    %dma_start3A_146 = arith.constant 0 : i32
    %dma_start3A_147 = tpu.memref_slice %arg2[%dma_start3A_145, %dma_start3A_146] : memref<10000x128xf32, #tpu.memory_space<hbm>> -> memref<10000x128xf32, #tpu.memory_space<hbm>>
    tpu.enqueue_indirect_dma source(%dma_start3A_147 : memref<10000x128xf32, #tpu.memory_space<hbm>>) target(%arg10 : memref<125x128xf32, #tpu.memory_space<vmem>>) offsets(%dma_start3A_144 : memref<125xi32, #tpu.memory_space<vmem>>) semaphore(%arg12 : memref<!tpu.dma_semaphore, #tpu.memory_space<semaphore_mem>>)
    %dma_wait3A_148 = arith.constant 1 : i32
    %dma_wait3A_149 = arith.constant 0 : i32
    %dma_wait3A_150 = tpu.memref_slice %arg7[%dma_wait3A_148, %dma_wait3A_149] : memref<40x125xi32, #tpu.memory_space<vmem>> -> memref<1x125xi32, #tpu.memory_space<vmem>>
    %dma_wait3A_151 = tpu.memref_squeeze %dma_wait3A_150 : memref<1x125xi32, #tpu.memory_space<vmem>> -> memref<125xi32, #tpu.memory_space<vmem>>
    %dma_wait3A_152 = arith.constant 0 : i32
    %dma_wait3A_153 = arith.constant 0 : i32
    %dma_wait3A_154 = tpu.memref_slice %arg2[%dma_wait3A_152, %dma_wait3A_153] : memref<10000x128xf32, #tpu.memory_space<hbm>> -> memref<10000x128xf32, #tpu.memory_space<hbm>>
    tpu.wait_indirect_dma semaphore(%arg12 : memref<!tpu.dma_semaphore, #tpu.memory_space<semaphore_mem>>) src(%dma_wait3A_154 : memref<10000x128xf32, #tpu.memory_space<hbm>>) dst(%arg10 : memref<125x128xf32, #tpu.memory_space<vmem>>)
    %dma_start3A_155 = arith.constant 1 : i32
    %dma_start3A_156 = arith.constant 0 : i32
    %dma_start3A_157 = tpu.memref_slice %arg8[%dma_start3A_155, %dma_start3A_156] : memref<40x125xi32, #tpu.memory_space<vmem>> -> memref<1x125xi32, #tpu.memory_space<vmem>>
    %dma_start3A_158 = tpu.memref_squeeze %dma_start3A_157 : memref<1x125xi32, #tpu.memory_space<vmem>> -> memref<125xi32, #tpu.memory_space<vmem>>
    %dma_start3A_159 = arith.constant 0 : i32
    %dma_start3A_160 = arith.constant 0 : i32
    %dma_start3A_161 = tpu.memref_slice %arg15[%dma_start3A_159, %dma_start3A_160] : memref<10240x128xf32, #tpu.memory_space<vmem_shared>> -> memref<10240x128xf32, #tpu.memory_space<vmem_shared>>
    tpu.enqueue_indirect_dma source(%arg10 : memref<125x128xf32, #tpu.memory_space<vmem>>) target(%dma_start3A_161 : memref<10240x128xf32, #tpu.memory_space<vmem_shared>>) offsets(%dma_start3A_158 : memref<125xi32, #tpu.memory_space<vmem>>) semaphore(%arg14 : memref<!tpu.dma_semaphore, #tpu.memory_space<semaphore_mem>>) {add = true}
    %dma_wait3A_162 = arith.constant 0 : i32
    %dma_wait3A_163 = arith.constant 0 : i32
    %dma_wait3A_164 = tpu.memref_slice %arg8[%dma_wait3A_162, %dma_wait3A_163] : memref<40x125xi32, #tpu.memory_space<vmem>> -> memref<1x125xi32, #tpu.memory_space<vmem>>
    %dma_wait3A_165 = tpu.memref_squeeze %dma_wait3A_164 : memref<1x125xi32, #tpu.memory_space<vmem>> -> memref<125xi32, #tpu.memory_space<vmem>>
    %dma_wait3A_166 = arith.constant 0 : i32
    %dma_wait3A_167 = arith.constant 0 : i32
    %dma_wait3A_168 = tpu.memref_slice %arg15[%dma_wait3A_166, %dma_wait3A_167] : memref<10240x128xf32, #tpu.memory_space<vmem_shared>> -> memref<10240x128xf32, #tpu.memory_space<vmem_shared>>
    tpu.wait_indirect_dma semaphore(%arg13 : memref<!tpu.dma_semaphore, #tpu.memory_space<semaphore_mem>>) src(%arg9 : memref<125x128xf32, #tpu.memory_space<vmem>>) dst(%dma_wait3A_168 : memref<10240x128xf32, #tpu.memory_space<vmem_shared>>)
    %dma_start3A_169 = arith.constant 2 : i32
    %dma_start3A_170 = arith.constant 0 : i32
    %dma_start3A_171 = tpu.memref_slice %arg7[%dma_start3A_169, %dma_start3A_170] : memref<40x125xi32, #tpu.memory_space<vmem>> -> memref<1x125xi32, #tpu.memory_space<vmem>>
    %dma_start3A_172 = tpu.memref_squeeze %dma_start3A_171 : memref<1x125xi32, #tpu.memory_space<vmem>> -> memref<125xi32, #tpu.memory_space<vmem>>
    %dma_start3A_173 = arith.constant 0 : i32
    %dma_start3A_174 = arith.constant 0 : i32
    %dma_start3A_175 = tpu.memref_slice %arg2[%dma_start3A_173, %dma_start3A_174] : memref<10000x128xf32, #tpu.memory_space<hbm>> -> memref<10000x128xf32, #tpu.memory_space<hbm>>
    tpu.enqueue_indirect_dma source(%dma_start3A_175 : memref<10000x128xf32, #tpu.memory_space<hbm>>) target(%arg9 : memref<125x128xf32, #tpu.memory_space<vmem>>) offsets(%dma_start3A_172 : memref<125xi32, #tpu.memory_space<vmem>>) semaphore(%arg11 : memref<!tpu.dma_semaphore, #tpu.memory_space<semaphore_mem>>)
    %scan3A_176 = arith.constant 0 : i32
    %scan3A_177 = arith.constant 1 : i32
    %scan3A_178 = arith.constant 18 : i32
    %scan3A_179 = arith.addi %scan3A_177, %scan3A_178 : i32
    %scan3A_180 = arith.constant 1 : i32
    scf.for %scan3A_243 = %scan3A_177 to %scan3A_179 step %scan3A_180  : i32 {
      %mul3A_244 = arith.constant 2 : i32
      %mul3A_245 = arith.muli %mul3A_244, %scan3A_243 : i32
      %dma_wait3A_246 = arith.constant 0 : i32
      %dma_wait3A_247 = tpu.memref_slice %arg7[%mul3A_245, %dma_wait3A_246] : memref<40x125xi32, #tpu.memory_space<vmem>> -> memref<1x125xi32, #tpu.memory_space<vmem>>
      %dma_wait3A_248 = tpu.memref_squeeze %dma_wait3A_247 : memref<1x125xi32, #tpu.memory_space<vmem>> -> memref<125xi32, #tpu.memory_space<vmem>>
      %dma_wait3A_249 = arith.constant 0 : i32
      %dma_wait3A_250 = arith.constant 0 : i32
      %dma_wait3A_251 = tpu.memref_slice %arg2[%dma_wait3A_249, %dma_wait3A_250] : memref<10000x128xf32, #tpu.memory_space<hbm>> -> memref<10000x128xf32, #tpu.memory_space<hbm>>
      tpu.wait_indirect_dma semaphore(%arg11 : memref<!tpu.dma_semaphore, #tpu.memory_space<semaphore_mem>>) src(%dma_wait3A_251 : memref<10000x128xf32, #tpu.memory_space<hbm>>) dst(%arg9 : memref<125x128xf32, #tpu.memory_space<vmem>>)
      %dma_start3A_252 = arith.constant 0 : i32
      %dma_start3A_253 = tpu.memref_slice %arg8[%mul3A_245, %dma_start3A_252] : memref<40x125xi32, #tpu.memory_space<vmem>> -> memref<1x125xi32, #tpu.memory_space<vmem>>
      %dma_start3A_254 = tpu.memref_squeeze %dma_start3A_253 : memref<1x125xi32, #tpu.memory_space<vmem>> -> memref<125xi32, #tpu.memory_space<vmem>>
      %dma_start3A_255 = arith.constant 0 : i32
      %dma_start3A_256 = arith.constant 0 : i32
      %dma_start3A_257 = tpu.memref_slice %arg15[%dma_start3A_255, %dma_start3A_256] : memref<10240x128xf32, #tpu.memory_space<vmem_shared>> -> memref<10240x128xf32, #tpu.memory_space<vmem_shared>>
      tpu.enqueue_indirect_dma source(%arg9 : memref<125x128xf32, #tpu.memory_space<vmem>>) target(%dma_start3A_257 : memref<10240x128xf32, #tpu.memory_space<vmem_shared>>) offsets(%dma_start3A_254 : memref<125xi32, #tpu.memory_space<vmem>>) semaphore(%arg13 : memref<!tpu.dma_semaphore, #tpu.memory_space<semaphore_mem>>) {add = true}
      %sub3A = arith.constant 1 : i32
      %sub3A_258 = arith.subi %mul3A_245, %sub3A : i32
      %dma_wait3A_259 = arith.constant 0 : i32
      %dma_wait3A_260 = tpu.memref_slice %arg8[%sub3A_258, %dma_wait3A_259] : memref<40x125xi32, #tpu.memory_space<vmem>> -> memref<1x125xi32, #tpu.memory_space<vmem>>
      %dma_wait3A_261 = tpu.memref_squeeze %dma_wait3A_260 : memref<1x125xi32, #tpu.memory_space<vmem>> -> memref<125xi32, #tpu.memory_space<vmem>>
      %dma_wait3A_262 = arith.constant 0 : i32
      %dma_wait3A_263 = arith.constant 0 : i32
      %dma_wait3A_264 = tpu.memref_slice %arg15[%dma_wait3A_262, %dma_wait3A_263] : memref<10240x128xf32, #tpu.memory_space<vmem_shared>> -> memref<10240x128xf32, #tpu.memory_space<vmem_shared>>
      tpu.wait_indirect_dma semaphore(%arg14 : memref<!tpu.dma_semaphore, #tpu.memory_space<semaphore_mem>>) src(%arg10 : memref<125x128xf32, #tpu.memory_space<vmem>>) dst(%dma_wait3A_264 : memref<10240x128xf32, #tpu.memory_space<vmem_shared>>)
      %add3A_265 = arith.constant 1 : i32
      %add3A_266 = arith.addi %mul3A_245, %add3A_265 : i32
      %dma_start3A_267 = arith.constant 0 : i32
      %dma_start3A_268 = tpu.memref_slice %arg7[%add3A_266, %dma_start3A_267] : memref<40x125xi32, #tpu.memory_space<vmem>> -> memref<1x125xi32, #tpu.memory_space<vmem>>
      %dma_start3A_269 = tpu.memref_squeeze %dma_start3A_268 : memref<1x125xi32, #tpu.memory_space<vmem>> -> memref<125xi32, #tpu.memory_space<vmem>>
      %dma_start3A_270 = arith.constant 0 : i32
      %dma_start3A_271 = arith.constant 0 : i32
      %dma_start3A_272 = tpu.memref_slice %arg2[%dma_start3A_270, %dma_start3A_271] : memref<10000x128xf32, #tpu.memory_space<hbm>> -> memref<10000x128xf32, #tpu.memory_space<hbm>>
      tpu.enqueue_indirect_dma source(%dma_start3A_272 : memref<10000x128xf32, #tpu.memory_space<hbm>>) target(%arg10 : memref<125x128xf32, #tpu.memory_space<vmem>>) offsets(%dma_start3A_269 : memref<125xi32, #tpu.memory_space<vmem>>) semaphore(%arg12 : memref<!tpu.dma_semaphore, #tpu.memory_space<semaphore_mem>>)
      %add3A_273 = arith.constant 1 : i32
      %add3A_274 = arith.addi %mul3A_245, %add3A_273 : i32
      %dma_wait3A_275 = arith.constant 0 : i32
      %dma_wait3A_276 = tpu.memref_slice %arg7[%add3A_274, %dma_wait3A_275] : memref<40x125xi32, #tpu.memory_space<vmem>> -> memref<1x125xi32, #tpu.memory_space<vmem>>
      %dma_wait3A_277 = tpu.memref_squeeze %dma_wait3A_276 : memref<1x125xi32, #tpu.memory_space<vmem>> -> memref<125xi32, #tpu.memory_space<vmem>>
      %dma_wait3A_278 = arith.constant 0 : i32
      %dma_wait3A_279 = arith.constant 0 : i32
      %dma_wait3A_280 = tpu.memref_slice %arg2[%dma_wait3A_278, %dma_wait3A_279] : memref<10000x128xf32, #tpu.memory_space<hbm>> -> memref<10000x128xf32, #tpu.memory_space<hbm>>
      tpu.wait_indirect_dma semaphore(%arg12 : memref<!tpu.dma_semaphore, #tpu.memory_space<semaphore_mem>>) src(%dma_wait3A_280 : memref<10000x128xf32, #tpu.memory_space<hbm>>) dst(%arg10 : memref<125x128xf32, #tpu.memory_space<vmem>>)
      %add3A_281 = arith.constant 1 : i32
      %add3A_282 = arith.addi %mul3A_245, %add3A_281 : i32
      %dma_start3A_283 = arith.constant 0 : i32
      %dma_start3A_284 = tpu.memref_slice %arg8[%add3A_282, %dma_start3A_283] : memref<40x125xi32, #tpu.memory_space<vmem>> -> memref<1x125xi32, #tpu.memory_space<vmem>>
      %dma_start3A_285 = tpu.memref_squeeze %dma_start3A_284 : memref<1x125xi32, #tpu.memory_space<vmem>> -> memref<125xi32, #tpu.memory_space<vmem>>
      %dma_start3A_286 = arith.constant 0 : i32
      %dma_start3A_287 = arith.constant 0 : i32
      %dma_start3A_288 = tpu.memref_slice %arg15[%dma_start3A_286, %dma_start3A_287] : memref<10240x128xf32, #tpu.memory_space<vmem_shared>> -> memref<10240x128xf32, #tpu.memory_space<vmem_shared>>
      tpu.enqueue_indirect_dma source(%arg10 : memref<125x128xf32, #tpu.memory_space<vmem>>) target(%dma_start3A_288 : memref<10240x128xf32, #tpu.memory_space<vmem_shared>>) offsets(%dma_start3A_285 : memref<125xi32, #tpu.memory_space<vmem>>) semaphore(%arg14 : memref<!tpu.dma_semaphore, #tpu.memory_space<semaphore_mem>>) {add = true}
      %dma_wait3A_289 = arith.constant 0 : i32
      %dma_wait3A_290 = tpu.memref_slice %arg8[%mul3A_245, %dma_wait3A_289] : memref<40x125xi32, #tpu.memory_space<vmem>> -> memref<1x125xi32, #tpu.memory_space<vmem>>
      %dma_wait3A_291 = tpu.memref_squeeze %dma_wait3A_290 : memref<1x125xi32, #tpu.memory_space<vmem>> -> memref<125xi32, #tpu.memory_space<vmem>>
      %dma_wait3A_292 = arith.constant 0 : i32
      %dma_wait3A_293 = arith.constant 0 : i32
      %dma_wait3A_294 = tpu.memref_slice %arg15[%dma_wait3A_292, %dma_wait3A_293] : memref<10240x128xf32, #tpu.memory_space<vmem_shared>> -> memref<10240x128xf32, #tpu.memory_space<vmem_shared>>
      tpu.wait_indirect_dma semaphore(%arg13 : memref<!tpu.dma_semaphore, #tpu.memory_space<semaphore_mem>>) src(%arg9 : memref<125x128xf32, #tpu.memory_space<vmem>>) dst(%dma_wait3A_294 : memref<10240x128xf32, #tpu.memory_space<vmem_shared>>)
      %add3A_295 = arith.constant 2 : i32
      %add3A_296 = arith.addi %mul3A_245, %add3A_295 : i32
      %dma_start3A_297 = arith.constant 0 : i32
      %dma_start3A_298 = tpu.memref_slice %arg7[%add3A_296, %dma_start3A_297] : memref<40x125xi32, #tpu.memory_space<vmem>> -> memref<1x125xi32, #tpu.memory_space<vmem>>
      %dma_start3A_299 = tpu.memref_squeeze %dma_start3A_298 : memref<1x125xi32, #tpu.memory_space<vmem>> -> memref<125xi32, #tpu.memory_space<vmem>>
      %dma_start3A_300 = arith.constant 0 : i32
      %dma_start3A_301 = arith.constant 0 : i32
      %dma_start3A_302 = tpu.memref_slice %arg2[%dma_start3A_300, %dma_start3A_301] : memref<10000x128xf32, #tpu.memory_space<hbm>> -> memref<10000x128xf32, #tpu.memory_space<hbm>>
      tpu.enqueue_indirect_dma source(%dma_start3A_302 : memref<10000x128xf32, #tpu.memory_space<hbm>>) target(%arg9 : memref<125x128xf32, #tpu.memory_space<vmem>>) offsets(%dma_start3A_299 : memref<125xi32, #tpu.memory_space<vmem>>) semaphore(%arg11 : memref<!tpu.dma_semaphore, #tpu.memory_space<semaphore_mem>>)
    }
    %scan3A_181 = arith.constant 18 : i32
    %dma_wait3A_182 = arith.constant 38 : i32
    %dma_wait3A_183 = arith.constant 0 : i32
    %dma_wait3A_184 = tpu.memref_slice %arg7[%dma_wait3A_182, %dma_wait3A_183] : memref<40x125xi32, #tpu.memory_space<vmem>> -> memref<1x125xi32, #tpu.memory_space<vmem>>
    %dma_wait3A_185 = tpu.memref_squeeze %dma_wait3A_184 : memref<1x125xi32, #tpu.memory_space<vmem>> -> memref<125xi32, #tpu.memory_space<vmem>>
    %dma_wait3A_186 = arith.constant 0 : i32
    %dma_wait3A_187 = arith.constant 0 : i32
    %dma_wait3A_188 = tpu.memref_slice %arg2[%dma_wait3A_186, %dma_wait3A_187] : memref<10000x128xf32, #tpu.memory_space<hbm>> -> memref<10000x128xf32, #tpu.memory_space<hbm>>
    tpu.wait_indirect_dma semaphore(%arg11 : memref<!tpu.dma_semaphore, #tpu.memory_space<semaphore_mem>>) src(%dma_wait3A_188 : memref<10000x128xf32, #tpu.memory_space<hbm>>) dst(%arg9 : memref<125x128xf32, #tpu.memory_space<vmem>>)
    %dma_start3A_189 = arith.constant 38 : i32
    %dma_start3A_190 = arith.constant 0 : i32
    %dma_start3A_191 = tpu.memref_slice %arg8[%dma_start3A_189, %dma_start3A_190] : memref<40x125xi32, #tpu.memory_space<vmem>> -> memref<1x125xi32, #tpu.memory_space<vmem>>
    %dma_start3A_192 = tpu.memref_squeeze %dma_start3A_191 : memref<1x125xi32, #tpu.memory_space<vmem>> -> memref<125xi32, #tpu.memory_space<vmem>>
    %dma_start3A_193 = arith.constant 0 : i32
    %dma_start3A_194 = arith.constant 0 : i32
    %dma_start3A_195 = tpu.memref_slice %arg15[%dma_start3A_193, %dma_start3A_194] : memref<10240x128xf32, #tpu.memory_space<vmem_shared>> -> memref<10240x128xf32, #tpu.memory_space<vmem_shared>>
    tpu.enqueue_indirect_dma source(%arg9 : memref<125x128xf32, #tpu.memory_space<vmem>>) target(%dma_start3A_195 : memref<10240x128xf32, #tpu.memory_space<vmem_shared>>) offsets(%dma_start3A_192 : memref<125xi32, #tpu.memory_space<vmem>>) semaphore(%arg13 : memref<!tpu.dma_semaphore, #tpu.memory_space<semaphore_mem>>) {add = true}
    %dma_wait3A_196 = arith.constant 37 : i32
    %dma_wait3A_197 = arith.constant 0 : i32
    %dma_wait3A_198 = tpu.memref_slice %arg8[%dma_wait3A_196, %dma_wait3A_197] : memref<40x125xi32, #tpu.memory_space<vmem>> -> memref<1x125xi32, #tpu.memory_space<vmem>>
    %dma_wait3A_199 = tpu.memref_squeeze %dma_wait3A_198 : memref<1x125xi32, #tpu.memory_space<vmem>> -> memref<125xi32, #tpu.memory_space<vmem>>
    %dma_wait3A_200 = arith.constant 0 : i32
    %dma_wait3A_201 = arith.constant 0 : i32
    %dma_wait3A_202 = tpu.memref_slice %arg15[%dma_wait3A_200, %dma_wait3A_201] : memref<10240x128xf32, #tpu.memory_space<vmem_shared>> -> memref<10240x128xf32, #tpu.memory_space<vmem_shared>>
    tpu.wait_indirect_dma semaphore(%arg14 : memref<!tpu.dma_semaphore, #tpu.memory_space<semaphore_mem>>) src(%arg10 : memref<125x128xf32, #tpu.memory_space<vmem>>) dst(%dma_wait3A_202 : memref<10240x128xf32, #tpu.memory_space<vmem_shared>>)
    %dma_start3A_203 = arith.constant 39 : i32
    %dma_start3A_204 = arith.constant 0 : i32
    %dma_start3A_205 = tpu.memref_slice %arg7[%dma_start3A_203, %dma_start3A_204] : memref<40x125xi32, #tpu.memory_space<vmem>> -> memref<1x125xi32, #tpu.memory_space<vmem>>
    %dma_start3A_206 = tpu.memref_squeeze %dma_start3A_205 : memref<1x125xi32, #tpu.memory_space<vmem>> -> memref<125xi32, #tpu.memory_space<vmem>>
    %dma_start3A_207 = arith.constant 0 : i32
    %dma_start3A_208 = arith.constant 0 : i32
    %dma_start3A_209 = tpu.memref_slice %arg2[%dma_start3A_207, %dma_start3A_208] : memref<10000x128xf32, #tpu.memory_space<hbm>> -> memref<10000x128xf32, #tpu.memory_space<hbm>>
    tpu.enqueue_indirect_dma source(%dma_start3A_209 : memref<10000x128xf32, #tpu.memory_space<hbm>>) target(%arg10 : memref<125x128xf32, #tpu.memory_space<vmem>>) offsets(%dma_start3A_206 : memref<125xi32, #tpu.memory_space<vmem>>) semaphore(%arg12 : memref<!tpu.dma_semaphore, #tpu.memory_space<semaphore_mem>>)
    %dma_wait3A_210 = arith.constant 39 : i32
    %dma_wait3A_211 = arith.constant 0 : i32
    %dma_wait3A_212 = tpu.memref_slice %arg7[%dma_wait3A_210, %dma_wait3A_211] : memref<40x125xi32, #tpu.memory_space<vmem>> -> memref<1x125xi32, #tpu.memory_space<vmem>>
    %dma_wait3A_213 = tpu.memref_squeeze %dma_wait3A_212 : memref<1x125xi32, #tpu.memory_space<vmem>> -> memref<125xi32, #tpu.memory_space<vmem>>
    %dma_wait3A_214 = arith.constant 0 : i32
    %dma_wait3A_215 = arith.constant 0 : i32
    %dma_wait3A_216 = tpu.memref_slice %arg2[%dma_wait3A_214, %dma_wait3A_215] : memref<10000x128xf32, #tpu.memory_space<hbm>> -> memref<10000x128xf32, #tpu.memory_space<hbm>>
    tpu.wait_indirect_dma semaphore(%arg12 : memref<!tpu.dma_semaphore, #tpu.memory_space<semaphore_mem>>) src(%dma_wait3A_216 : memref<10000x128xf32, #tpu.memory_space<hbm>>) dst(%arg10 : memref<125x128xf32, #tpu.memory_space<vmem>>)
    %dma_start3A_217 = arith.constant 39 : i32
    %dma_start3A_218 = arith.constant 0 : i32
    %dma_start3A_219 = tpu.memref_slice %arg8[%dma_start3A_217, %dma_start3A_218] : memref<40x125xi32, #tpu.memory_space<vmem>> -> memref<1x125xi32, #tpu.memory_space<vmem>>
    %dma_start3A_220 = tpu.memref_squeeze %dma_start3A_219 : memref<1x125xi32, #tpu.memory_space<vmem>> -> memref<125xi32, #tpu.memory_space<vmem>>
    %dma_start3A_221 = arith.constant 0 : i32
    %dma_start3A_222 = arith.constant 0 : i32
    %dma_start3A_223 = tpu.memref_slice %arg15[%dma_start3A_221, %dma_start3A_222] : memref<10240x128xf32, #tpu.memory_space<vmem_shared>> -> memref<10240x128xf32, #tpu.memory_space<vmem_shared>>
    tpu.enqueue_indirect_dma source(%arg10 : memref<125x128xf32, #tpu.memory_space<vmem>>) target(%dma_start3A_223 : memref<10240x128xf32, #tpu.memory_space<vmem_shared>>) offsets(%dma_start3A_220 : memref<125xi32, #tpu.memory_space<vmem>>) semaphore(%arg14 : memref<!tpu.dma_semaphore, #tpu.memory_space<semaphore_mem>>) {add = true}
    %dma_wait3A_224 = arith.constant 38 : i32
    %dma_wait3A_225 = arith.constant 0 : i32
    %dma_wait3A_226 = tpu.memref_slice %arg8[%dma_wait3A_224, %dma_wait3A_225] : memref<40x125xi32, #tpu.memory_space<vmem>> -> memref<1x125xi32, #tpu.memory_space<vmem>>
    %dma_wait3A_227 = tpu.memref_squeeze %dma_wait3A_226 : memref<1x125xi32, #tpu.memory_space<vmem>> -> memref<125xi32, #tpu.memory_space<vmem>>
    %dma_wait3A_228 = arith.constant 0 : i32
    %dma_wait3A_229 = arith.constant 0 : i32
    %dma_wait3A_230 = tpu.memref_slice %arg15[%dma_wait3A_228, %dma_wait3A_229] : memref<10240x128xf32, #tpu.memory_space<vmem_shared>> -> memref<10240x128xf32, #tpu.memory_space<vmem_shared>>
    tpu.wait_indirect_dma semaphore(%arg13 : memref<!tpu.dma_semaphore, #tpu.memory_space<semaphore_mem>>) src(%arg9 : memref<125x128xf32, #tpu.memory_space<vmem>>) dst(%dma_wait3A_230 : memref<10240x128xf32, #tpu.memory_space<vmem_shared>>)
    %dma_wait3A_231 = arith.constant 39 : i32
    %dma_wait3A_232 = arith.constant 0 : i32
    %dma_wait3A_233 = tpu.memref_slice %arg8[%dma_wait3A_231, %dma_wait3A_232] : memref<40x125xi32, #tpu.memory_space<vmem>> -> memref<1x125xi32, #tpu.memory_space<vmem>>
    %dma_wait3A_234 = tpu.memref_squeeze %dma_wait3A_233 : memref<1x125xi32, #tpu.memory_space<vmem>> -> memref<125xi32, #tpu.memory_space<vmem>>
    %dma_wait3A_235 = arith.constant 0 : i32
    %dma_wait3A_236 = arith.constant 0 : i32
    %dma_wait3A_237 = tpu.memref_slice %arg15[%dma_wait3A_235, %dma_wait3A_236] : memref<10240x128xf32, #tpu.memory_space<vmem_shared>> -> memref<10240x128xf32, #tpu.memory_space<vmem_shared>>
    tpu.wait_indirect_dma semaphore(%arg14 : memref<!tpu.dma_semaphore, #tpu.memory_space<semaphore_mem>>) src(%arg10 : memref<125x128xf32, #tpu.memory_space<vmem>>) dst(%dma_wait3A_237 : memref<10240x128xf32, #tpu.memory_space<vmem_shared>>)
    %barrier3A_238 = arith.constant 0 : index
    tpu.barrier barrier_id(%barrier3A_238)
    %mul3A_239 = arith.constant 640 : i32
    %mul3A_240 = arith.muli %arg1, %mul3A_239 : i32
    %mul3A_241 = arith.constant 640 : i32
    %mul3A_242 = arith.muli %arg1, %mul3A_241 : i32
    "tpu.region"() ({
      %run_scoped3A = tpu.sem_alloc : memref<!tpu.dma_semaphore, #tpu.memory_space<semaphore_mem>>
      %dma_start3A_243 = arith.constant 0 : i32
      %dma_start3A_244 = tpu.memref_slice %arg6[%arg0, %mul3A_242, %dma_start3A_243] : memref<2x10240x128xf32, #tpu.memory_space<hbm>> -> memref<1x640x128xf32, #tpu.memory_space<hbm>>
      %dma_start3A_245 = tpu.memref_squeeze %dma_start3A_244 : memref<1x640x128xf32, #tpu.memory_space<hbm>> -> memref<640x128xf32, #tpu.memory_space<hbm>>
      %dma_start3A_246 = arith.constant 0 : i32
      %dma_start3A_247 = tpu.memref_slice %arg15[%mul3A_240, %dma_start3A_246] : memref<10240x128xf32, #tpu.memory_space<vmem_shared>> -> memref<640x128xf32, #tpu.memory_space<vmem_shared>>
      tpu.enqueue_dma source(%dma_start3A_247 : memref<640x128xf32, #tpu.memory_space<vmem_shared>>) target(%dma_start3A_245 : memref<640x128xf32, #tpu.memory_space<hbm>>) target_semaphore(%run_scoped3A : memref<!tpu.dma_semaphore, #tpu.memory_space<semaphore_mem>>)
      %dma_wait3A_248 = arith.constant 0 : i32
      %dma_wait3A_249 = tpu.memref_slice %arg6[%arg0, %mul3A_242, %dma_wait3A_248] : memref<2x10240x128xf32, #tpu.memory_space<hbm>> -> memref<1x640x128xf32, #tpu.memory_space<hbm>>
      %dma_wait3A_250 = tpu.memref_squeeze %dma_wait3A_249 : memref<1x640x128xf32, #tpu.memory_space<hbm>> -> memref<640x128xf32, #tpu.memory_space<hbm>>
      %dma_wait3A_251 = arith.constant 0 : i32
      %dma_wait3A_252 = tpu.memref_slice %arg15[%mul3A_240, %dma_wait3A_251] : memref<10240x128xf32, #tpu.memory_space<vmem_shared>> -> memref<640x128xf32, #tpu.memory_space<vmem_shared>>
      tpu.wait_dma2 semaphore(%run_scoped3A : memref<!tpu.dma_semaphore, #tpu.memory_space<semaphore_mem>>) src(%dma_wait3A_252 : memref<640x128xf32, #tpu.memory_space<vmem_shared>>) dst(%dma_wait3A_250 : memref<640x128xf32, #tpu.memory_space<hbm>>)
      tpu.yield
    }) : () -> ()
    return
  }
}

#map = affine_map<(d0, d1) -> (0, 0)>
#map1 = affine_map<(d0, d1) -> (0, 0, 0)>
module attributes {stable_mosaic.version = 14 : i64} {
  func.func @_sc_agg_body(%arg0: i32, %arg1: i32, %arg2: memref<10000x128xf32, #tpu.memory_space<hbm>>, %arg3: memref<32x80x125xi32, #tpu.memory_space<hbm>>, %arg4: memref<32x80x125xi32, #tpu.memory_space<hbm>>, %arg5: memref<10240x128xf32, #tpu.memory_space<hbm>>, %arg6: memref<2x10240x128xf32, #tpu.memory_space<hbm>>, %arg7: memref<40x125xi32, #tpu.memory_space<vmem>>, %arg8: memref<40x125xi32, #tpu.memory_space<vmem>>, %arg9: memref<125x128xf32, #tpu.memory_space<vmem>>, %arg10: memref<125x128xf32, #tpu.memory_space<vmem>>, %arg11: memref<!tpu.dma_semaphore, #tpu.memory_space<semaphore_mem>>, %arg12: memref<!tpu.dma_semaphore, #tpu.memory_space<semaphore_mem>>, %arg13: memref<!tpu.dma_semaphore, #tpu.memory_space<semaphore_mem>>, %arg14: memref<!tpu.dma_semaphore, #tpu.memory_space<semaphore_mem>>, %arg15: memref<10240x128xf32, #tpu.memory_space<vmem_shared>>) attributes {dimension_semantics = [#tpu.dimension_semantics<core_parallel>, #tpu.dimension_semantics<subcore_parallel>], iteration_bounds = array<i64: 2, 16>, scalar_prefetch = 0 : i64, scratch_operands = 9 : i64, tpu.core_type = #tpu.core_type<sc_vector_subcore>, window_params = [{transform_indices = #map}, {transform_indices = #map1}, {transform_indices = #map1}, {transform_indices = #map}, {transform_indices = #map1}]} {
    %mul3A = arith.constant 2 : i32
    %mul3A_0 = arith.muli %arg1, %mul3A : i32
    %add3A = arith.addi %mul3A_0, %arg0 : i32
    %mul3A_1 = arith.constant 640 : i32
    %mul3A_2 = arith.muli %arg1, %mul3A_1 : i32
    %mul3A_3 = arith.constant 640 : i32
    %mul3A_4 = arith.muli %arg1, %mul3A_3 : i32
    "tpu.region"() ({
      %run_scoped3A = tpu.sem_alloc : memref<!tpu.dma_semaphore, #tpu.memory_space<semaphore_mem>>
      %dma_start3A_243 = arith.constant 0 : i32
      %dma_start3A_244 = tpu.memref_slice %arg15[%mul3A_4, %dma_start3A_243] : memref<10240x128xf32, #tpu.memory_space<vmem_shared>> -> memref<640x128xf32, #tpu.memory_space<vmem_shared>>
      %dma_start3A_245 = arith.constant 0 : i32
      %dma_start3A_246 = tpu.memref_slice %arg5[%mul3A_2, %dma_start3A_245] : memref<10240x128xf32, #tpu.memory_space<hbm>> -> memref<640x128xf32, #tpu.memory_space<hbm>>
      tpu.enqueue_dma source(%dma_start3A_246 : memref<640x128xf32, #tpu.memory_space<hbm>>) target(%dma_start3A_244 : memref<640x128xf32, #tpu.memory_space<vmem_shared>>) target_semaphore(%run_scoped3A : memref<!tpu.dma_semaphore, #tpu.memory_space<semaphore_mem>>)
      %dma_wait3A_247 = arith.constant 0 : i32
      %dma_wait3A_248 = tpu.memref_slice %arg15[%mul3A_4, %dma_wait3A_247] : memref<10240x128xf32, #tpu.memory_space<vmem_shared>> -> memref<640x128xf32, #tpu.memory_space<vmem_shared>>
      %dma_wait3A_249 = arith.constant 0 : i32
      %dma_wait3A_250 = tpu.memref_slice %arg5[%mul3A_2, %dma_wait3A_249] : memref<10240x128xf32, #tpu.memory_space<hbm>> -> memref<640x128xf32, #tpu.memory_space<hbm>>
      tpu.wait_dma2 semaphore(%run_scoped3A : memref<!tpu.dma_semaphore, #tpu.memory_space<semaphore_mem>>) src(%dma_wait3A_250 : memref<640x128xf32, #tpu.memory_space<hbm>>) dst(%dma_wait3A_248 : memref<640x128xf32, #tpu.memory_space<vmem_shared>>)
      tpu.yield
    }) : () -> ()
    %barrier3A = arith.constant 0 : index
    tpu.barrier barrier_id(%barrier3A)
    "tpu.region"() ({
      %run_scoped3A = tpu.sem_alloc : memref<!tpu.dma_semaphore, #tpu.memory_space<semaphore_mem>>
      %dma_start3A_243 = arith.constant 0 : i32
      %dma_start3A_244 = arith.constant 0 : i32
      %dma_start3A_245 = tpu.memref_slice %arg3[%add3A, %dma_start3A_243, %dma_start3A_244] : memref<32x80x125xi32, #tpu.memory_space<hbm>> -> memref<1x40x125xi32, #tpu.memory_space<hbm>>
      %dma_start3A_246 = tpu.memref_squeeze %dma_start3A_245 : memref<1x40x125xi32, #tpu.memory_space<hbm>> -> memref<40x125xi32, #tpu.memory_space<hbm>>
      %dma_start3A_247 = arith.constant 0 : i32
      %dma_start3A_248 = arith.constant 0 : i32
      %dma_start3A_249 = tpu.memref_slice %arg3[%add3A, %dma_start3A_247, %dma_start3A_248] : memref<32x80x125xi32, #tpu.memory_space<hbm>> -> memref<1x40x125xi32, #tpu.memory_space<hbm>>
      %dma_start3A_250 = tpu.memref_squeeze %dma_start3A_249 : memref<1x40x125xi32, #tpu.memory_space<hbm>> -> memref<40x125xi32, #tpu.memory_space<hbm>>
      tpu.enqueue_dma source(%dma_start3A_250 : memref<40x125xi32, #tpu.memory_space<hbm>>) target(%arg7 : memref<40x125xi32, #tpu.memory_space<vmem>>) target_semaphore(%run_scoped3A : memref<!tpu.dma_semaphore, #tpu.memory_space<semaphore_mem>>)
      %dma_wait3A_251 = arith.constant 0 : i32
      %dma_wait3A_252 = arith.constant 0 : i32
      %dma_wait3A_253 = tpu.memref_slice %arg3[%add3A, %dma_wait3A_251, %dma_wait3A_252] : memref<32x80x125xi32, #tpu.memory_space<hbm>> -> memref<1x40x125xi32, #tpu.memory_space<hbm>>
      %dma_wait3A_254 = tpu.memref_squeeze %dma_wait3A_253 : memref<1x40x125xi32, #tpu.memory_space<hbm>> -> memref<40x125xi32, #tpu.memory_space<hbm>>
      %dma_wait3A_255 = arith.constant 0 : i32
      %dma_wait3A_256 = arith.constant 0 : i32
      %dma_wait3A_257 = tpu.memref_slice %arg3[%add3A, %dma_wait3A_255, %dma_wait3A_256] : memref<32x80x125xi32, #tpu.memory_space<hbm>> -> memref<1x40x125xi32, #tpu.memory_space<hbm>>
      %dma_wait3A_258 = tpu.memref_squeeze %dma_wait3A_257 : memref<1x40x125xi32, #tpu.memory_space<hbm>> -> memref<40x125xi32, #tpu.memory_space<hbm>>
      tpu.wait_dma2 semaphore(%run_scoped3A : memref<!tpu.dma_semaphore, #tpu.memory_space<semaphore_mem>>) src(%dma_wait3A_258 : memref<40x125xi32, #tpu.memory_space<hbm>>) dst(%arg7 : memref<40x125xi32, #tpu.memory_space<vmem>>)
      tpu.yield
    }) : () -> ()
    "tpu.region"() ({
      %run_scoped3A = tpu.sem_alloc : memref<!tpu.dma_semaphore, #tpu.memory_space<semaphore_mem>>
      %dma_start3A_243 = arith.constant 0 : i32
      %dma_start3A_244 = arith.constant 0 : i32
      %dma_start3A_245 = tpu.memref_slice %arg4[%add3A, %dma_start3A_243, %dma_start3A_244] : memref<32x80x125xi32, #tpu.memory_space<hbm>> -> memref<1x40x125xi32, #tpu.memory_space<hbm>>
      %dma_start3A_246 = tpu.memref_squeeze %dma_start3A_245 : memref<1x40x125xi32, #tpu.memory_space<hbm>> -> memref<40x125xi32, #tpu.memory_space<hbm>>
      %dma_start3A_247 = arith.constant 0 : i32
      %dma_start3A_248 = arith.constant 0 : i32
      %dma_start3A_249 = tpu.memref_slice %arg4[%add3A, %dma_start3A_247, %dma_start3A_248] : memref<32x80x125xi32, #tpu.memory_space<hbm>> -> memref<1x40x125xi32, #tpu.memory_space<hbm>>
      %dma_start3A_250 = tpu.memref_squeeze %dma_start3A_249 : memref<1x40x125xi32, #tpu.memory_space<hbm>> -> memref<40x125xi32, #tpu.memory_space<hbm>>
      tpu.enqueue_dma source(%dma_start3A_250 : memref<40x125xi32, #tpu.memory_space<hbm>>) target(%arg8 : memref<40x125xi32, #tpu.memory_space<vmem>>) target_semaphore(%run_scoped3A : memref<!tpu.dma_semaphore, #tpu.memory_space<semaphore_mem>>)
      %dma_wait3A_251 = arith.constant 0 : i32
      %dma_wait3A_252 = arith.constant 0 : i32
      %dma_wait3A_253 = tpu.memref_slice %arg4[%add3A, %dma_wait3A_251, %dma_wait3A_252] : memref<32x80x125xi32, #tpu.memory_space<hbm>> -> memref<1x40x125xi32, #tpu.memory_space<hbm>>
      %dma_wait3A_254 = tpu.memref_squeeze %dma_wait3A_253 : memref<1x40x125xi32, #tpu.memory_space<hbm>> -> memref<40x125xi32, #tpu.memory_space<hbm>>
      %dma_wait3A_255 = arith.constant 0 : i32
      %dma_wait3A_256 = arith.constant 0 : i32
      %dma_wait3A_257 = tpu.memref_slice %arg4[%add3A, %dma_wait3A_255, %dma_wait3A_256] : memref<32x80x125xi32, #tpu.memory_space<hbm>> -> memref<1x40x125xi32, #tpu.memory_space<hbm>>
      %dma_wait3A_258 = tpu.memref_squeeze %dma_wait3A_257 : memref<1x40x125xi32, #tpu.memory_space<hbm>> -> memref<40x125xi32, #tpu.memory_space<hbm>>
      tpu.wait_dma2 semaphore(%run_scoped3A : memref<!tpu.dma_semaphore, #tpu.memory_space<semaphore_mem>>) src(%dma_wait3A_258 : memref<40x125xi32, #tpu.memory_space<hbm>>) dst(%arg8 : memref<40x125xi32, #tpu.memory_space<vmem>>)
      tpu.yield
    }) : () -> ()
    %dma_start3A = arith.constant 0 : i32
    %dma_start3A_5 = arith.constant 0 : i32
    %dma_start3A_6 = tpu.memref_slice %arg7[%dma_start3A, %dma_start3A_5] : memref<40x125xi32, #tpu.memory_space<vmem>> -> memref<1x125xi32, #tpu.memory_space<vmem>>
    %dma_start3A_7 = tpu.memref_squeeze %dma_start3A_6 : memref<1x125xi32, #tpu.memory_space<vmem>> -> memref<125xi32, #tpu.memory_space<vmem>>
    %dma_start3A_8 = arith.constant 0 : i32
    %dma_start3A_9 = arith.constant 0 : i32
    %dma_start3A_10 = tpu.memref_slice %arg2[%dma_start3A_8, %dma_start3A_9] : memref<10000x128xf32, #tpu.memory_space<hbm>> -> memref<10000x128xf32, #tpu.memory_space<hbm>>
    tpu.enqueue_indirect_dma source(%dma_start3A_10 : memref<10000x128xf32, #tpu.memory_space<hbm>>) target(%arg9 : memref<125x128xf32, #tpu.memory_space<vmem>>) offsets(%dma_start3A_7 : memref<125xi32, #tpu.memory_space<vmem>>) semaphore(%arg11 : memref<!tpu.dma_semaphore, #tpu.memory_space<semaphore_mem>>)
    %dma_wait3A = arith.constant 0 : i32
    %dma_wait3A_11 = arith.constant 0 : i32
    %dma_wait3A_12 = tpu.memref_slice %arg7[%dma_wait3A, %dma_wait3A_11] : memref<40x125xi32, #tpu.memory_space<vmem>> -> memref<1x125xi32, #tpu.memory_space<vmem>>
    %dma_wait3A_13 = tpu.memref_squeeze %dma_wait3A_12 : memref<1x125xi32, #tpu.memory_space<vmem>> -> memref<125xi32, #tpu.memory_space<vmem>>
    %dma_wait3A_14 = arith.constant 0 : i32
    %dma_wait3A_15 = arith.constant 0 : i32
    %dma_wait3A_16 = tpu.memref_slice %arg2[%dma_wait3A_14, %dma_wait3A_15] : memref<10000x128xf32, #tpu.memory_space<hbm>> -> memref<10000x128xf32, #tpu.memory_space<hbm>>
    tpu.wait_indirect_dma semaphore(%arg11 : memref<!tpu.dma_semaphore, #tpu.memory_space<semaphore_mem>>) src(%dma_wait3A_16 : memref<10000x128xf32, #tpu.memory_space<hbm>>) dst(%arg9 : memref<125x128xf32, #tpu.memory_space<vmem>>)
    %dma_start3A_17 = arith.constant 0 : i32
    %dma_start3A_18 = arith.constant 0 : i32
    %dma_start3A_19 = tpu.memref_slice %arg8[%dma_start3A_17, %dma_start3A_18] : memref<40x125xi32, #tpu.memory_space<vmem>> -> memref<1x125xi32, #tpu.memory_space<vmem>>
    %dma_start3A_20 = tpu.memref_squeeze %dma_start3A_19 : memref<1x125xi32, #tpu.memory_space<vmem>> -> memref<125xi32, #tpu.memory_space<vmem>>
    %dma_start3A_21 = arith.constant 0 : i32
    %dma_start3A_22 = arith.constant 0 : i32
    %dma_start3A_23 = tpu.memref_slice %arg15[%dma_start3A_21, %dma_start3A_22] : memref<10240x128xf32, #tpu.memory_space<vmem_shared>> -> memref<10240x128xf32, #tpu.memory_space<vmem_shared>>
    tpu.enqueue_indirect_dma source(%arg9 : memref<125x128xf32, #tpu.memory_space<vmem>>) target(%dma_start3A_23 : memref<10240x128xf32, #tpu.memory_space<vmem_shared>>) offsets(%dma_start3A_20 : memref<125xi32, #tpu.memory_space<vmem>>) semaphore(%arg13 : memref<!tpu.dma_semaphore, #tpu.memory_space<semaphore_mem>>) {add = true}
    %dma_start3A_24 = arith.constant 1 : i32
    %dma_start3A_25 = arith.constant 0 : i32
    %dma_start3A_26 = tpu.memref_slice %arg7[%dma_start3A_24, %dma_start3A_25] : memref<40x125xi32, #tpu.memory_space<vmem>> -> memref<1x125xi32, #tpu.memory_space<vmem>>
    %dma_start3A_27 = tpu.memref_squeeze %dma_start3A_26 : memref<1x125xi32, #tpu.memory_space<vmem>> -> memref<125xi32, #tpu.memory_space<vmem>>
    %dma_start3A_28 = arith.constant 0 : i32
    %dma_start3A_29 = arith.constant 0 : i32
    %dma_start3A_30 = tpu.memref_slice %arg2[%dma_start3A_28, %dma_start3A_29] : memref<10000x128xf32, #tpu.memory_space<hbm>> -> memref<10000x128xf32, #tpu.memory_space<hbm>>
    tpu.enqueue_indirect_dma source(%dma_start3A_30 : memref<10000x128xf32, #tpu.memory_space<hbm>>) target(%arg10 : memref<125x128xf32, #tpu.memory_space<vmem>>) offsets(%dma_start3A_27 : memref<125xi32, #tpu.memory_space<vmem>>) semaphore(%arg12 : memref<!tpu.dma_semaphore, #tpu.memory_space<semaphore_mem>>)
    %dma_wait3A_31 = arith.constant 1 : i32
    %dma_wait3A_32 = arith.constant 0 : i32
    %dma_wait3A_33 = tpu.memref_slice %arg7[%dma_wait3A_31, %dma_wait3A_32] : memref<40x125xi32, #tpu.memory_space<vmem>> -> memref<1x125xi32, #tpu.memory_space<vmem>>
    %dma_wait3A_34 = tpu.memref_squeeze %dma_wait3A_33 : memref<1x125xi32, #tpu.memory_space<vmem>> -> memref<125xi32, #tpu.memory_space<vmem>>
    %dma_wait3A_35 = arith.constant 0 : i32
    %dma_wait3A_36 = arith.constant 0 : i32
    %dma_wait3A_37 = tpu.memref_slice %arg2[%dma_wait3A_35, %dma_wait3A_36] : memref<10000x128xf32, #tpu.memory_space<hbm>> -> memref<10000x128xf32, #tpu.memory_space<hbm>>
    tpu.wait_indirect_dma semaphore(%arg12 : memref<!tpu.dma_semaphore, #tpu.memory_space<semaphore_mem>>) src(%dma_wait3A_37 : memref<10000x128xf32, #tpu.memory_space<hbm>>) dst(%arg10 : memref<125x128xf32, #tpu.memory_space<vmem>>)
    %dma_start3A_38 = arith.constant 1 : i32
    %dma_start3A_39 = arith.constant 0 : i32
    %dma_start3A_40 = tpu.memref_slice %arg8[%dma_start3A_38, %dma_start3A_39] : memref<40x125xi32, #tpu.memory_space<vmem>> -> memref<1x125xi32, #tpu.memory_space<vmem>>
    %dma_start3A_41 = tpu.memref_squeeze %dma_start3A_40 : memref<1x125xi32, #tpu.memory_space<vmem>> -> memref<125xi32, #tpu.memory_space<vmem>>
    %dma_start3A_42 = arith.constant 0 : i32
    %dma_start3A_43 = arith.constant 0 : i32
    %dma_start3A_44 = tpu.memref_slice %arg15[%dma_start3A_42, %dma_start3A_43] : memref<10240x128xf32, #tpu.memory_space<vmem_shared>> -> memref<10240x128xf32, #tpu.memory_space<vmem_shared>>
    tpu.enqueue_indirect_dma source(%arg10 : memref<125x128xf32, #tpu.memory_space<vmem>>) target(%dma_start3A_44 : memref<10240x128xf32, #tpu.memory_space<vmem_shared>>) offsets(%dma_start3A_41 : memref<125xi32, #tpu.memory_space<vmem>>) semaphore(%arg14 : memref<!tpu.dma_semaphore, #tpu.memory_space<semaphore_mem>>) {add = true}
    %dma_wait3A_45 = arith.constant 0 : i32
    %dma_wait3A_46 = arith.constant 0 : i32
    %dma_wait3A_47 = tpu.memref_slice %arg8[%dma_wait3A_45, %dma_wait3A_46] : memref<40x125xi32, #tpu.memory_space<vmem>> -> memref<1x125xi32, #tpu.memory_space<vmem>>
    %dma_wait3A_48 = tpu.memref_squeeze %dma_wait3A_47 : memref<1x125xi32, #tpu.memory_space<vmem>> -> memref<125xi32, #tpu.memory_space<vmem>>
    %dma_wait3A_49 = arith.constant 0 : i32
    %dma_wait3A_50 = arith.constant 0 : i32
    %dma_wait3A_51 = tpu.memref_slice %arg15[%dma_wait3A_49, %dma_wait3A_50] : memref<10240x128xf32, #tpu.memory_space<vmem_shared>> -> memref<10240x128xf32, #tpu.memory_space<vmem_shared>>
    tpu.wait_indirect_dma semaphore(%arg13 : memref<!tpu.dma_semaphore, #tpu.memory_space<semaphore_mem>>) src(%arg9 : memref<125x128xf32, #tpu.memory_space<vmem>>) dst(%dma_wait3A_51 : memref<10240x128xf32, #tpu.memory_space<vmem_shared>>)
    %dma_start3A_52 = arith.constant 2 : i32
    %dma_start3A_53 = arith.constant 0 : i32
    %dma_start3A_54 = tpu.memref_slice %arg7[%dma_start3A_52, %dma_start3A_53] : memref<40x125xi32, #tpu.memory_space<vmem>> -> memref<1x125xi32, #tpu.memory_space<vmem>>
    %dma_start3A_55 = tpu.memref_squeeze %dma_start3A_54 : memref<1x125xi32, #tpu.memory_space<vmem>> -> memref<125xi32, #tpu.memory_space<vmem>>
    %dma_start3A_56 = arith.constant 0 : i32
    %dma_start3A_57 = arith.constant 0 : i32
    %dma_start3A_58 = tpu.memref_slice %arg2[%dma_start3A_56, %dma_start3A_57] : memref<10000x128xf32, #tpu.memory_space<hbm>> -> memref<10000x128xf32, #tpu.memory_space<hbm>>
    tpu.enqueue_indirect_dma source(%dma_start3A_58 : memref<10000x128xf32, #tpu.memory_space<hbm>>) target(%arg9 : memref<125x128xf32, #tpu.memory_space<vmem>>) offsets(%dma_start3A_55 : memref<125xi32, #tpu.memory_space<vmem>>) semaphore(%arg11 : memref<!tpu.dma_semaphore, #tpu.memory_space<semaphore_mem>>)
    %scan3A = arith.constant 0 : i32
    %scan3A_59 = arith.constant 1 : i32
    %scan3A_60 = arith.constant 18 : i32
    %scan3A_61 = arith.addi %scan3A_59, %scan3A_60 : i32
    %scan3A_62 = arith.constant 1 : i32
    scf.for %scan3A_243 = %scan3A_59 to %scan3A_61 step %scan3A_62  : i32 {
      %mul3A_244 = arith.constant 2 : i32
      %mul3A_245 = arith.muli %mul3A_244, %scan3A_243 : i32
      %dma_wait3A_246 = arith.constant 0 : i32
      %dma_wait3A_247 = tpu.memref_slice %arg7[%mul3A_245, %dma_wait3A_246] : memref<40x125xi32, #tpu.memory_space<vmem>> -> memref<1x125xi32, #tpu.memory_space<vmem>>
      %dma_wait3A_248 = tpu.memref_squeeze %dma_wait3A_247 : memref<1x125xi32, #tpu.memory_space<vmem>> -> memref<125xi32, #tpu.memory_space<vmem>>
      %dma_wait3A_249 = arith.constant 0 : i32
      %dma_wait3A_250 = arith.constant 0 : i32
      %dma_wait3A_251 = tpu.memref_slice %arg2[%dma_wait3A_249, %dma_wait3A_250] : memref<10000x128xf32, #tpu.memory_space<hbm>> -> memref<10000x128xf32, #tpu.memory_space<hbm>>
      tpu.wait_indirect_dma semaphore(%arg11 : memref<!tpu.dma_semaphore, #tpu.memory_space<semaphore_mem>>) src(%dma_wait3A_251 : memref<10000x128xf32, #tpu.memory_space<hbm>>) dst(%arg9 : memref<125x128xf32, #tpu.memory_space<vmem>>)
      %dma_start3A_252 = arith.constant 0 : i32
      %dma_start3A_253 = tpu.memref_slice %arg8[%mul3A_245, %dma_start3A_252] : memref<40x125xi32, #tpu.memory_space<vmem>> -> memref<1x125xi32, #tpu.memory_space<vmem>>
      %dma_start3A_254 = tpu.memref_squeeze %dma_start3A_253 : memref<1x125xi32, #tpu.memory_space<vmem>> -> memref<125xi32, #tpu.memory_space<vmem>>
      %dma_start3A_255 = arith.constant 0 : i32
      %dma_start3A_256 = arith.constant 0 : i32
      %dma_start3A_257 = tpu.memref_slice %arg15[%dma_start3A_255, %dma_start3A_256] : memref<10240x128xf32, #tpu.memory_space<vmem_shared>> -> memref<10240x128xf32, #tpu.memory_space<vmem_shared>>
      tpu.enqueue_indirect_dma source(%arg9 : memref<125x128xf32, #tpu.memory_space<vmem>>) target(%dma_start3A_257 : memref<10240x128xf32, #tpu.memory_space<vmem_shared>>) offsets(%dma_start3A_254 : memref<125xi32, #tpu.memory_space<vmem>>) semaphore(%arg13 : memref<!tpu.dma_semaphore, #tpu.memory_space<semaphore_mem>>) {add = true}
      %sub3A = arith.constant 1 : i32
      %sub3A_258 = arith.subi %mul3A_245, %sub3A : i32
      %dma_wait3A_259 = arith.constant 0 : i32
      %dma_wait3A_260 = tpu.memref_slice %arg8[%sub3A_258, %dma_wait3A_259] : memref<40x125xi32, #tpu.memory_space<vmem>> -> memref<1x125xi32, #tpu.memory_space<vmem>>
      %dma_wait3A_261 = tpu.memref_squeeze %dma_wait3A_260 : memref<1x125xi32, #tpu.memory_space<vmem>> -> memref<125xi32, #tpu.memory_space<vmem>>
      %dma_wait3A_262 = arith.constant 0 : i32
      %dma_wait3A_263 = arith.constant 0 : i32
      %dma_wait3A_264 = tpu.memref_slice %arg15[%dma_wait3A_262, %dma_wait3A_263] : memref<10240x128xf32, #tpu.memory_space<vmem_shared>> -> memref<10240x128xf32, #tpu.memory_space<vmem_shared>>
      tpu.wait_indirect_dma semaphore(%arg14 : memref<!tpu.dma_semaphore, #tpu.memory_space<semaphore_mem>>) src(%arg10 : memref<125x128xf32, #tpu.memory_space<vmem>>) dst(%dma_wait3A_264 : memref<10240x128xf32, #tpu.memory_space<vmem_shared>>)
      %add3A_265 = arith.constant 1 : i32
      %add3A_266 = arith.addi %mul3A_245, %add3A_265 : i32
      %dma_start3A_267 = arith.constant 0 : i32
      %dma_start3A_268 = tpu.memref_slice %arg7[%add3A_266, %dma_start3A_267] : memref<40x125xi32, #tpu.memory_space<vmem>> -> memref<1x125xi32, #tpu.memory_space<vmem>>
      %dma_start3A_269 = tpu.memref_squeeze %dma_start3A_268 : memref<1x125xi32, #tpu.memory_space<vmem>> -> memref<125xi32, #tpu.memory_space<vmem>>
      %dma_start3A_270 = arith.constant 0 : i32
      %dma_start3A_271 = arith.constant 0 : i32
      %dma_start3A_272 = tpu.memref_slice %arg2[%dma_start3A_270, %dma_start3A_271] : memref<10000x128xf32, #tpu.memory_space<hbm>> -> memref<10000x128xf32, #tpu.memory_space<hbm>>
      tpu.enqueue_indirect_dma source(%dma_start3A_272 : memref<10000x128xf32, #tpu.memory_space<hbm>>) target(%arg10 : memref<125x128xf32, #tpu.memory_space<vmem>>) offsets(%dma_start3A_269 : memref<125xi32, #tpu.memory_space<vmem>>) semaphore(%arg12 : memref<!tpu.dma_semaphore, #tpu.memory_space<semaphore_mem>>)
      %add3A_273 = arith.constant 1 : i32
      %add3A_274 = arith.addi %mul3A_245, %add3A_273 : i32
      %dma_wait3A_275 = arith.constant 0 : i32
      %dma_wait3A_276 = tpu.memref_slice %arg7[%add3A_274, %dma_wait3A_275] : memref<40x125xi32, #tpu.memory_space<vmem>> -> memref<1x125xi32, #tpu.memory_space<vmem>>
      %dma_wait3A_277 = tpu.memref_squeeze %dma_wait3A_276 : memref<1x125xi32, #tpu.memory_space<vmem>> -> memref<125xi32, #tpu.memory_space<vmem>>
      %dma_wait3A_278 = arith.constant 0 : i32
      %dma_wait3A_279 = arith.constant 0 : i32
      %dma_wait3A_280 = tpu.memref_slice %arg2[%dma_wait3A_278, %dma_wait3A_279] : memref<10000x128xf32, #tpu.memory_space<hbm>> -> memref<10000x128xf32, #tpu.memory_space<hbm>>
      tpu.wait_indirect_dma semaphore(%arg12 : memref<!tpu.dma_semaphore, #tpu.memory_space<semaphore_mem>>) src(%dma_wait3A_280 : memref<10000x128xf32, #tpu.memory_space<hbm>>) dst(%arg10 : memref<125x128xf32, #tpu.memory_space<vmem>>)
      %add3A_281 = arith.constant 1 : i32
      %add3A_282 = arith.addi %mul3A_245, %add3A_281 : i32
      %dma_start3A_283 = arith.constant 0 : i32
      %dma_start3A_284 = tpu.memref_slice %arg8[%add3A_282, %dma_start3A_283] : memref<40x125xi32, #tpu.memory_space<vmem>> -> memref<1x125xi32, #tpu.memory_space<vmem>>
      %dma_start3A_285 = tpu.memref_squeeze %dma_start3A_284 : memref<1x125xi32, #tpu.memory_space<vmem>> -> memref<125xi32, #tpu.memory_space<vmem>>
      %dma_start3A_286 = arith.constant 0 : i32
      %dma_start3A_287 = arith.constant 0 : i32
      %dma_start3A_288 = tpu.memref_slice %arg15[%dma_start3A_286, %dma_start3A_287] : memref<10240x128xf32, #tpu.memory_space<vmem_shared>> -> memref<10240x128xf32, #tpu.memory_space<vmem_shared>>
      tpu.enqueue_indirect_dma source(%arg10 : memref<125x128xf32, #tpu.memory_space<vmem>>) target(%dma_start3A_288 : memref<10240x128xf32, #tpu.memory_space<vmem_shared>>) offsets(%dma_start3A_285 : memref<125xi32, #tpu.memory_space<vmem>>) semaphore(%arg14 : memref<!tpu.dma_semaphore, #tpu.memory_space<semaphore_mem>>) {add = true}
      %dma_wait3A_289 = arith.constant 0 : i32
      %dma_wait3A_290 = tpu.memref_slice %arg8[%mul3A_245, %dma_wait3A_289] : memref<40x125xi32, #tpu.memory_space<vmem>> -> memref<1x125xi32, #tpu.memory_space<vmem>>
      %dma_wait3A_291 = tpu.memref_squeeze %dma_wait3A_290 : memref<1x125xi32, #tpu.memory_space<vmem>> -> memref<125xi32, #tpu.memory_space<vmem>>
      %dma_wait3A_292 = arith.constant 0 : i32
      %dma_wait3A_293 = arith.constant 0 : i32
      %dma_wait3A_294 = tpu.memref_slice %arg15[%dma_wait3A_292, %dma_wait3A_293] : memref<10240x128xf32, #tpu.memory_space<vmem_shared>> -> memref<10240x128xf32, #tpu.memory_space<vmem_shared>>
      tpu.wait_indirect_dma semaphore(%arg13 : memref<!tpu.dma_semaphore, #tpu.memory_space<semaphore_mem>>) src(%arg9 : memref<125x128xf32, #tpu.memory_space<vmem>>) dst(%dma_wait3A_294 : memref<10240x128xf32, #tpu.memory_space<vmem_shared>>)
      %add3A_295 = arith.constant 2 : i32
      %add3A_296 = arith.addi %mul3A_245, %add3A_295 : i32
      %dma_start3A_297 = arith.constant 0 : i32
      %dma_start3A_298 = tpu.memref_slice %arg7[%add3A_296, %dma_start3A_297] : memref<40x125xi32, #tpu.memory_space<vmem>> -> memref<1x125xi32, #tpu.memory_space<vmem>>
      %dma_start3A_299 = tpu.memref_squeeze %dma_start3A_298 : memref<1x125xi32, #tpu.memory_space<vmem>> -> memref<125xi32, #tpu.memory_space<vmem>>
      %dma_start3A_300 = arith.constant 0 : i32
      %dma_start3A_301 = arith.constant 0 : i32
      %dma_start3A_302 = tpu.memref_slice %arg2[%dma_start3A_300, %dma_start3A_301] : memref<10000x128xf32, #tpu.memory_space<hbm>> -> memref<10000x128xf32, #tpu.memory_space<hbm>>
      tpu.enqueue_indirect_dma source(%dma_start3A_302 : memref<10000x128xf32, #tpu.memory_space<hbm>>) target(%arg9 : memref<125x128xf32, #tpu.memory_space<vmem>>) offsets(%dma_start3A_299 : memref<125xi32, #tpu.memory_space<vmem>>) semaphore(%arg11 : memref<!tpu.dma_semaphore, #tpu.memory_space<semaphore_mem>>)
    }
    %scan3A_63 = arith.constant 18 : i32
    %dma_wait3A_64 = arith.constant 38 : i32
    %dma_wait3A_65 = arith.constant 0 : i32
    %dma_wait3A_66 = tpu.memref_slice %arg7[%dma_wait3A_64, %dma_wait3A_65] : memref<40x125xi32, #tpu.memory_space<vmem>> -> memref<1x125xi32, #tpu.memory_space<vmem>>
    %dma_wait3A_67 = tpu.memref_squeeze %dma_wait3A_66 : memref<1x125xi32, #tpu.memory_space<vmem>> -> memref<125xi32, #tpu.memory_space<vmem>>
    %dma_wait3A_68 = arith.constant 0 : i32
    %dma_wait3A_69 = arith.constant 0 : i32
    %dma_wait3A_70 = tpu.memref_slice %arg2[%dma_wait3A_68, %dma_wait3A_69] : memref<10000x128xf32, #tpu.memory_space<hbm>> -> memref<10000x128xf32, #tpu.memory_space<hbm>>
    tpu.wait_indirect_dma semaphore(%arg11 : memref<!tpu.dma_semaphore, #tpu.memory_space<semaphore_mem>>) src(%dma_wait3A_70 : memref<10000x128xf32, #tpu.memory_space<hbm>>) dst(%arg9 : memref<125x128xf32, #tpu.memory_space<vmem>>)
    %dma_start3A_71 = arith.constant 38 : i32
    %dma_start3A_72 = arith.constant 0 : i32
    %dma_start3A_73 = tpu.memref_slice %arg8[%dma_start3A_71, %dma_start3A_72] : memref<40x125xi32, #tpu.memory_space<vmem>> -> memref<1x125xi32, #tpu.memory_space<vmem>>
    %dma_start3A_74 = tpu.memref_squeeze %dma_start3A_73 : memref<1x125xi32, #tpu.memory_space<vmem>> -> memref<125xi32, #tpu.memory_space<vmem>>
    %dma_start3A_75 = arith.constant 0 : i32
    %dma_start3A_76 = arith.constant 0 : i32
    %dma_start3A_77 = tpu.memref_slice %arg15[%dma_start3A_75, %dma_start3A_76] : memref<10240x128xf32, #tpu.memory_space<vmem_shared>> -> memref<10240x128xf32, #tpu.memory_space<vmem_shared>>
    tpu.enqueue_indirect_dma source(%arg9 : memref<125x128xf32, #tpu.memory_space<vmem>>) target(%dma_start3A_77 : memref<10240x128xf32, #tpu.memory_space<vmem_shared>>) offsets(%dma_start3A_74 : memref<125xi32, #tpu.memory_space<vmem>>) semaphore(%arg13 : memref<!tpu.dma_semaphore, #tpu.memory_space<semaphore_mem>>) {add = true}
    %dma_wait3A_78 = arith.constant 37 : i32
    %dma_wait3A_79 = arith.constant 0 : i32
    %dma_wait3A_80 = tpu.memref_slice %arg8[%dma_wait3A_78, %dma_wait3A_79] : memref<40x125xi32, #tpu.memory_space<vmem>> -> memref<1x125xi32, #tpu.memory_space<vmem>>
    %dma_wait3A_81 = tpu.memref_squeeze %dma_wait3A_80 : memref<1x125xi32, #tpu.memory_space<vmem>> -> memref<125xi32, #tpu.memory_space<vmem>>
    %dma_wait3A_82 = arith.constant 0 : i32
    %dma_wait3A_83 = arith.constant 0 : i32
    %dma_wait3A_84 = tpu.memref_slice %arg15[%dma_wait3A_82, %dma_wait3A_83] : memref<10240x128xf32, #tpu.memory_space<vmem_shared>> -> memref<10240x128xf32, #tpu.memory_space<vmem_shared>>
    tpu.wait_indirect_dma semaphore(%arg14 : memref<!tpu.dma_semaphore, #tpu.memory_space<semaphore_mem>>) src(%arg10 : memref<125x128xf32, #tpu.memory_space<vmem>>) dst(%dma_wait3A_84 : memref<10240x128xf32, #tpu.memory_space<vmem_shared>>)
    %dma_start3A_85 = arith.constant 39 : i32
    %dma_start3A_86 = arith.constant 0 : i32
    %dma_start3A_87 = tpu.memref_slice %arg7[%dma_start3A_85, %dma_start3A_86] : memref<40x125xi32, #tpu.memory_space<vmem>> -> memref<1x125xi32, #tpu.memory_space<vmem>>
    %dma_start3A_88 = tpu.memref_squeeze %dma_start3A_87 : memref<1x125xi32, #tpu.memory_space<vmem>> -> memref<125xi32, #tpu.memory_space<vmem>>
    %dma_start3A_89 = arith.constant 0 : i32
    %dma_start3A_90 = arith.constant 0 : i32
    %dma_start3A_91 = tpu.memref_slice %arg2[%dma_start3A_89, %dma_start3A_90] : memref<10000x128xf32, #tpu.memory_space<hbm>> -> memref<10000x128xf32, #tpu.memory_space<hbm>>
    tpu.enqueue_indirect_dma source(%dma_start3A_91 : memref<10000x128xf32, #tpu.memory_space<hbm>>) target(%arg10 : memref<125x128xf32, #tpu.memory_space<vmem>>) offsets(%dma_start3A_88 : memref<125xi32, #tpu.memory_space<vmem>>) semaphore(%arg12 : memref<!tpu.dma_semaphore, #tpu.memory_space<semaphore_mem>>)
    %dma_wait3A_92 = arith.constant 39 : i32
    %dma_wait3A_93 = arith.constant 0 : i32
    %dma_wait3A_94 = tpu.memref_slice %arg7[%dma_wait3A_92, %dma_wait3A_93] : memref<40x125xi32, #tpu.memory_space<vmem>> -> memref<1x125xi32, #tpu.memory_space<vmem>>
    %dma_wait3A_95 = tpu.memref_squeeze %dma_wait3A_94 : memref<1x125xi32, #tpu.memory_space<vmem>> -> memref<125xi32, #tpu.memory_space<vmem>>
    %dma_wait3A_96 = arith.constant 0 : i32
    %dma_wait3A_97 = arith.constant 0 : i32
    %dma_wait3A_98 = tpu.memref_slice %arg2[%dma_wait3A_96, %dma_wait3A_97] : memref<10000x128xf32, #tpu.memory_space<hbm>> -> memref<10000x128xf32, #tpu.memory_space<hbm>>
    tpu.wait_indirect_dma semaphore(%arg12 : memref<!tpu.dma_semaphore, #tpu.memory_space<semaphore_mem>>) src(%dma_wait3A_98 : memref<10000x128xf32, #tpu.memory_space<hbm>>) dst(%arg10 : memref<125x128xf32, #tpu.memory_space<vmem>>)
    %dma_start3A_99 = arith.constant 39 : i32
    %dma_start3A_100 = arith.constant 0 : i32
    %dma_start3A_101 = tpu.memref_slice %arg8[%dma_start3A_99, %dma_start3A_100] : memref<40x125xi32, #tpu.memory_space<vmem>> -> memref<1x125xi32, #tpu.memory_space<vmem>>
    %dma_start3A_102 = tpu.memref_squeeze %dma_start3A_101 : memref<1x125xi32, #tpu.memory_space<vmem>> -> memref<125xi32, #tpu.memory_space<vmem>>
    %dma_start3A_103 = arith.constant 0 : i32
    %dma_start3A_104 = arith.constant 0 : i32
    %dma_start3A_105 = tpu.memref_slice %arg15[%dma_start3A_103, %dma_start3A_104] : memref<10240x128xf32, #tpu.memory_space<vmem_shared>> -> memref<10240x128xf32, #tpu.memory_space<vmem_shared>>
    tpu.enqueue_indirect_dma source(%arg10 : memref<125x128xf32, #tpu.memory_space<vmem>>) target(%dma_start3A_105 : memref<10240x128xf32, #tpu.memory_space<vmem_shared>>) offsets(%dma_start3A_102 : memref<125xi32, #tpu.memory_space<vmem>>) semaphore(%arg14 : memref<!tpu.dma_semaphore, #tpu.memory_space<semaphore_mem>>) {add = true}
    %dma_wait3A_106 = arith.constant 38 : i32
    %dma_wait3A_107 = arith.constant 0 : i32
    %dma_wait3A_108 = tpu.memref_slice %arg8[%dma_wait3A_106, %dma_wait3A_107] : memref<40x125xi32, #tpu.memory_space<vmem>> -> memref<1x125xi32, #tpu.memory_space<vmem>>
    %dma_wait3A_109 = tpu.memref_squeeze %dma_wait3A_108 : memref<1x125xi32, #tpu.memory_space<vmem>> -> memref<125xi32, #tpu.memory_space<vmem>>
    %dma_wait3A_110 = arith.constant 0 : i32
    %dma_wait3A_111 = arith.constant 0 : i32
    %dma_wait3A_112 = tpu.memref_slice %arg15[%dma_wait3A_110, %dma_wait3A_111] : memref<10240x128xf32, #tpu.memory_space<vmem_shared>> -> memref<10240x128xf32, #tpu.memory_space<vmem_shared>>
    tpu.wait_indirect_dma semaphore(%arg13 : memref<!tpu.dma_semaphore, #tpu.memory_space<semaphore_mem>>) src(%arg9 : memref<125x128xf32, #tpu.memory_space<vmem>>) dst(%dma_wait3A_112 : memref<10240x128xf32, #tpu.memory_space<vmem_shared>>)
    %dma_wait3A_113 = arith.constant 39 : i32
    %dma_wait3A_114 = arith.constant 0 : i32
    %dma_wait3A_115 = tpu.memref_slice %arg8[%dma_wait3A_113, %dma_wait3A_114] : memref<40x125xi32, #tpu.memory_space<vmem>> -> memref<1x125xi32, #tpu.memory_space<vmem>>
    %dma_wait3A_116 = tpu.memref_squeeze %dma_wait3A_115 : memref<1x125xi32, #tpu.memory_space<vmem>> -> memref<125xi32, #tpu.memory_space<vmem>>
    %dma_wait3A_117 = arith.constant 0 : i32
    %dma_wait3A_118 = arith.constant 0 : i32
    %dma_wait3A_119 = tpu.memref_slice %arg15[%dma_wait3A_117, %dma_wait3A_118] : memref<10240x128xf32, #tpu.memory_space<vmem_shared>> -> memref<10240x128xf32, #tpu.memory_space<vmem_shared>>
    tpu.wait_indirect_dma semaphore(%arg14 : memref<!tpu.dma_semaphore, #tpu.memory_space<semaphore_mem>>) src(%arg10 : memref<125x128xf32, #tpu.memory_space<vmem>>) dst(%dma_wait3A_119 : memref<10240x128xf32, #tpu.memory_space<vmem_shared>>)
    "tpu.region"() ({
      %run_scoped3A = tpu.sem_alloc : memref<!tpu.dma_semaphore, #tpu.memory_space<semaphore_mem>>
      %dma_start3A_243 = arith.constant 40 : i32
      %dma_start3A_244 = arith.constant 0 : i32
      %dma_start3A_245 = tpu.memref_slice %arg3[%add3A, %dma_start3A_243, %dma_start3A_244] : memref<32x80x125xi32, #tpu.memory_space<hbm>> -> memref<1x40x125xi32, #tpu.memory_space<hbm>>
      %dma_start3A_246 = tpu.memref_squeeze %dma_start3A_245 : memref<1x40x125xi32, #tpu.memory_space<hbm>> -> memref<40x125xi32, #tpu.memory_space<hbm>>
      %dma_start3A_247 = arith.constant 40 : i32
      %dma_start3A_248 = arith.constant 0 : i32
      %dma_start3A_249 = tpu.memref_slice %arg3[%add3A, %dma_start3A_247, %dma_start3A_248] : memref<32x80x125xi32, #tpu.memory_space<hbm>> -> memref<1x40x125xi32, #tpu.memory_space<hbm>>
      %dma_start3A_250 = tpu.memref_squeeze %dma_start3A_249 : memref<1x40x125xi32, #tpu.memory_space<hbm>> -> memref<40x125xi32, #tpu.memory_space<hbm>>
      tpu.enqueue_dma source(%dma_start3A_250 : memref<40x125xi32, #tpu.memory_space<hbm>>) target(%arg7 : memref<40x125xi32, #tpu.memory_space<vmem>>) target_semaphore(%run_scoped3A : memref<!tpu.dma_semaphore, #tpu.memory_space<semaphore_mem>>)
      %dma_wait3A_251 = arith.constant 40 : i32
      %dma_wait3A_252 = arith.constant 0 : i32
      %dma_wait3A_253 = tpu.memref_slice %arg3[%add3A, %dma_wait3A_251, %dma_wait3A_252] : memref<32x80x125xi32, #tpu.memory_space<hbm>> -> memref<1x40x125xi32, #tpu.memory_space<hbm>>
      %dma_wait3A_254 = tpu.memref_squeeze %dma_wait3A_253 : memref<1x40x125xi32, #tpu.memory_space<hbm>> -> memref<40x125xi32, #tpu.memory_space<hbm>>
      %dma_wait3A_255 = arith.constant 40 : i32
      %dma_wait3A_256 = arith.constant 0 : i32
      %dma_wait3A_257 = tpu.memref_slice %arg3[%add3A, %dma_wait3A_255, %dma_wait3A_256] : memref<32x80x125xi32, #tpu.memory_space<hbm>> -> memref<1x40x125xi32, #tpu.memory_space<hbm>>
      %dma_wait3A_258 = tpu.memref_squeeze %dma_wait3A_257 : memref<1x40x125xi32, #tpu.memory_space<hbm>> -> memref<40x125xi32, #tpu.memory_space<hbm>>
      tpu.wait_dma2 semaphore(%run_scoped3A : memref<!tpu.dma_semaphore, #tpu.memory_space<semaphore_mem>>) src(%dma_wait3A_258 : memref<40x125xi32, #tpu.memory_space<hbm>>) dst(%arg7 : memref<40x125xi32, #tpu.memory_space<vmem>>)
      tpu.yield
    }) : () -> ()
    "tpu.region"() ({
      %run_scoped3A = tpu.sem_alloc : memref<!tpu.dma_semaphore, #tpu.memory_space<semaphore_mem>>
      %dma_start3A_243 = arith.constant 40 : i32
      %dma_start3A_244 = arith.constant 0 : i32
      %dma_start3A_245 = tpu.memref_slice %arg4[%add3A, %dma_start3A_243, %dma_start3A_244] : memref<32x80x125xi32, #tpu.memory_space<hbm>> -> memref<1x40x125xi32, #tpu.memory_space<hbm>>
      %dma_start3A_246 = tpu.memref_squeeze %dma_start3A_245 : memref<1x40x125xi32, #tpu.memory_space<hbm>> -> memref<40x125xi32, #tpu.memory_space<hbm>>
      %dma_start3A_247 = arith.constant 40 : i32
      %dma_start3A_248 = arith.constant 0 : i32
      %dma_start3A_249 = tpu.memref_slice %arg4[%add3A, %dma_start3A_247, %dma_start3A_248] : memref<32x80x125xi32, #tpu.memory_space<hbm>> -> memref<1x40x125xi32, #tpu.memory_space<hbm>>
      %dma_start3A_250 = tpu.memref_squeeze %dma_start3A_249 : memref<1x40x125xi32, #tpu.memory_space<hbm>> -> memref<40x125xi32, #tpu.memory_space<hbm>>
      tpu.enqueue_dma source(%dma_start3A_250 : memref<40x125xi32, #tpu.memory_space<hbm>>) target(%arg8 : memref<40x125xi32, #tpu.memory_space<vmem>>) target_semaphore(%run_scoped3A : memref<!tpu.dma_semaphore, #tpu.memory_space<semaphore_mem>>)
      %dma_wait3A_251 = arith.constant 40 : i32
      %dma_wait3A_252 = arith.constant 0 : i32
      %dma_wait3A_253 = tpu.memref_slice %arg4[%add3A, %dma_wait3A_251, %dma_wait3A_252] : memref<32x80x125xi32, #tpu.memory_space<hbm>> -> memref<1x40x125xi32, #tpu.memory_space<hbm>>
      %dma_wait3A_254 = tpu.memref_squeeze %dma_wait3A_253 : memref<1x40x125xi32, #tpu.memory_space<hbm>> -> memref<40x125xi32, #tpu.memory_space<hbm>>
      %dma_wait3A_255 = arith.constant 40 : i32
      %dma_wait3A_256 = arith.constant 0 : i32
      %dma_wait3A_257 = tpu.memref_slice %arg4[%add3A, %dma_wait3A_255, %dma_wait3A_256] : memref<32x80x125xi32, #tpu.memory_space<hbm>> -> memref<1x40x125xi32, #tpu.memory_space<hbm>>
      %dma_wait3A_258 = tpu.memref_squeeze %dma_wait3A_257 : memref<1x40x125xi32, #tpu.memory_space<hbm>> -> memref<40x125xi32, #tpu.memory_space<hbm>>
      tpu.wait_dma2 semaphore(%run_scoped3A : memref<!tpu.dma_semaphore, #tpu.memory_space<semaphore_mem>>) src(%dma_wait3A_258 : memref<40x125xi32, #tpu.memory_space<hbm>>) dst(%arg8 : memref<40x125xi32, #tpu.memory_space<vmem>>)
      tpu.yield
    }) : () -> ()
    %dma_start3A_120 = arith.constant 0 : i32
    %dma_start3A_121 = arith.constant 0 : i32
    %dma_start3A_122 = tpu.memref_slice %arg7[%dma_start3A_120, %dma_start3A_121] : memref<40x125xi32, #tpu.memory_space<vmem>> -> memref<1x125xi32, #tpu.memory_space<vmem>>
    %dma_start3A_123 = tpu.memref_squeeze %dma_start3A_122 : memref<1x125xi32, #tpu.memory_space<vmem>> -> memref<125xi32, #tpu.memory_space<vmem>>
    %dma_start3A_124 = arith.constant 0 : i32
    %dma_start3A_125 = arith.constant 0 : i32
    %dma_start3A_126 = tpu.memref_slice %arg2[%dma_start3A_124, %dma_start3A_125] : memref<10000x128xf32, #tpu.memory_space<hbm>> -> memref<10000x128xf32, #tpu.memory_space<hbm>>
    tpu.enqueue_indirect_dma source(%dma_start3A_126 : memref<10000x128xf32, #tpu.memory_space<hbm>>) target(%arg9 : memref<125x128xf32, #tpu.memory_space<vmem>>) offsets(%dma_start3A_123 : memref<125xi32, #tpu.memory_space<vmem>>) semaphore(%arg11 : memref<!tpu.dma_semaphore, #tpu.memory_space<semaphore_mem>>)
    %dma_wait3A_127 = arith.constant 0 : i32
    %dma_wait3A_128 = arith.constant 0 : i32
    %dma_wait3A_129 = tpu.memref_slice %arg7[%dma_wait3A_127, %dma_wait3A_128] : memref<40x125xi32, #tpu.memory_space<vmem>> -> memref<1x125xi32, #tpu.memory_space<vmem>>
    %dma_wait3A_130 = tpu.memref_squeeze %dma_wait3A_129 : memref<1x125xi32, #tpu.memory_space<vmem>> -> memref<125xi32, #tpu.memory_space<vmem>>
    %dma_wait3A_131 = arith.constant 0 : i32
    %dma_wait3A_132 = arith.constant 0 : i32
    %dma_wait3A_133 = tpu.memref_slice %arg2[%dma_wait3A_131, %dma_wait3A_132] : memref<10000x128xf32, #tpu.memory_space<hbm>> -> memref<10000x128xf32, #tpu.memory_space<hbm>>
    tpu.wait_indirect_dma semaphore(%arg11 : memref<!tpu.dma_semaphore, #tpu.memory_space<semaphore_mem>>) src(%dma_wait3A_133 : memref<10000x128xf32, #tpu.memory_space<hbm>>) dst(%arg9 : memref<125x128xf32, #tpu.memory_space<vmem>>)
    %dma_start3A_134 = arith.constant 0 : i32
    %dma_start3A_135 = arith.constant 0 : i32
    %dma_start3A_136 = tpu.memref_slice %arg8[%dma_start3A_134, %dma_start3A_135] : memref<40x125xi32, #tpu.memory_space<vmem>> -> memref<1x125xi32, #tpu.memory_space<vmem>>
    %dma_start3A_137 = tpu.memref_squeeze %dma_start3A_136 : memref<1x125xi32, #tpu.memory_space<vmem>> -> memref<125xi32, #tpu.memory_space<vmem>>
    %dma_start3A_138 = arith.constant 0 : i32
    %dma_start3A_139 = arith.constant 0 : i32
    %dma_start3A_140 = tpu.memref_slice %arg15[%dma_start3A_138, %dma_start3A_139] : memref<10240x128xf32, #tpu.memory_space<vmem_shared>> -> memref<10240x128xf32, #tpu.memory_space<vmem_shared>>
    tpu.enqueue_indirect_dma source(%arg9 : memref<125x128xf32, #tpu.memory_space<vmem>>) target(%dma_start3A_140 : memref<10240x128xf32, #tpu.memory_space<vmem_shared>>) offsets(%dma_start3A_137 : memref<125xi32, #tpu.memory_space<vmem>>) semaphore(%arg13 : memref<!tpu.dma_semaphore, #tpu.memory_space<semaphore_mem>>) {add = true}
    %dma_start3A_141 = arith.constant 1 : i32
    %dma_start3A_142 = arith.constant 0 : i32
    %dma_start3A_143 = tpu.memref_slice %arg7[%dma_start3A_141, %dma_start3A_142] : memref<40x125xi32, #tpu.memory_space<vmem>> -> memref<1x125xi32, #tpu.memory_space<vmem>>
    %dma_start3A_144 = tpu.memref_squeeze %dma_start3A_143 : memref<1x125xi32, #tpu.memory_space<vmem>> -> memref<125xi32, #tpu.memory_space<vmem>>
    %dma_start3A_145 = arith.constant 0 : i32
    %dma_start3A_146 = arith.constant 0 : i32
    %dma_start3A_147 = tpu.memref_slice %arg2[%dma_start3A_145, %dma_start3A_146] : memref<10000x128xf32, #tpu.memory_space<hbm>> -> memref<10000x128xf32, #tpu.memory_space<hbm>>
    tpu.enqueue_indirect_dma source(%dma_start3A_147 : memref<10000x128xf32, #tpu.memory_space<hbm>>) target(%arg10 : memref<125x128xf32, #tpu.memory_space<vmem>>) offsets(%dma_start3A_144 : memref<125xi32, #tpu.memory_space<vmem>>) semaphore(%arg12 : memref<!tpu.dma_semaphore, #tpu.memory_space<semaphore_mem>>)
    %dma_wait3A_148 = arith.constant 1 : i32
    %dma_wait3A_149 = arith.constant 0 : i32
    %dma_wait3A_150 = tpu.memref_slice %arg7[%dma_wait3A_148, %dma_wait3A_149] : memref<40x125xi32, #tpu.memory_space<vmem>> -> memref<1x125xi32, #tpu.memory_space<vmem>>
    %dma_wait3A_151 = tpu.memref_squeeze %dma_wait3A_150 : memref<1x125xi32, #tpu.memory_space<vmem>> -> memref<125xi32, #tpu.memory_space<vmem>>
    %dma_wait3A_152 = arith.constant 0 : i32
    %dma_wait3A_153 = arith.constant 0 : i32
    %dma_wait3A_154 = tpu.memref_slice %arg2[%dma_wait3A_152, %dma_wait3A_153] : memref<10000x128xf32, #tpu.memory_space<hbm>> -> memref<10000x128xf32, #tpu.memory_space<hbm>>
    tpu.wait_indirect_dma semaphore(%arg12 : memref<!tpu.dma_semaphore, #tpu.memory_space<semaphore_mem>>) src(%dma_wait3A_154 : memref<10000x128xf32, #tpu.memory_space<hbm>>) dst(%arg10 : memref<125x128xf32, #tpu.memory_space<vmem>>)
    %dma_start3A_155 = arith.constant 1 : i32
    %dma_start3A_156 = arith.constant 0 : i32
    %dma_start3A_157 = tpu.memref_slice %arg8[%dma_start3A_155, %dma_start3A_156] : memref<40x125xi32, #tpu.memory_space<vmem>> -> memref<1x125xi32, #tpu.memory_space<vmem>>
    %dma_start3A_158 = tpu.memref_squeeze %dma_start3A_157 : memref<1x125xi32, #tpu.memory_space<vmem>> -> memref<125xi32, #tpu.memory_space<vmem>>
    %dma_start3A_159 = arith.constant 0 : i32
    %dma_start3A_160 = arith.constant 0 : i32
    %dma_start3A_161 = tpu.memref_slice %arg15[%dma_start3A_159, %dma_start3A_160] : memref<10240x128xf32, #tpu.memory_space<vmem_shared>> -> memref<10240x128xf32, #tpu.memory_space<vmem_shared>>
    tpu.enqueue_indirect_dma source(%arg10 : memref<125x128xf32, #tpu.memory_space<vmem>>) target(%dma_start3A_161 : memref<10240x128xf32, #tpu.memory_space<vmem_shared>>) offsets(%dma_start3A_158 : memref<125xi32, #tpu.memory_space<vmem>>) semaphore(%arg14 : memref<!tpu.dma_semaphore, #tpu.memory_space<semaphore_mem>>) {add = true}
    %dma_wait3A_162 = arith.constant 0 : i32
    %dma_wait3A_163 = arith.constant 0 : i32
    %dma_wait3A_164 = tpu.memref_slice %arg8[%dma_wait3A_162, %dma_wait3A_163] : memref<40x125xi32, #tpu.memory_space<vmem>> -> memref<1x125xi32, #tpu.memory_space<vmem>>
    %dma_wait3A_165 = tpu.memref_squeeze %dma_wait3A_164 : memref<1x125xi32, #tpu.memory_space<vmem>> -> memref<125xi32, #tpu.memory_space<vmem>>
    %dma_wait3A_166 = arith.constant 0 : i32
    %dma_wait3A_167 = arith.constant 0 : i32
    %dma_wait3A_168 = tpu.memref_slice %arg15[%dma_wait3A_166, %dma_wait3A_167] : memref<10240x128xf32, #tpu.memory_space<vmem_shared>> -> memref<10240x128xf32, #tpu.memory_space<vmem_shared>>
    tpu.wait_indirect_dma semaphore(%arg13 : memref<!tpu.dma_semaphore, #tpu.memory_space<semaphore_mem>>) src(%arg9 : memref<125x128xf32, #tpu.memory_space<vmem>>) dst(%dma_wait3A_168 : memref<10240x128xf32, #tpu.memory_space<vmem_shared>>)
    %dma_start3A_169 = arith.constant 2 : i32
    %dma_start3A_170 = arith.constant 0 : i32
    %dma_start3A_171 = tpu.memref_slice %arg7[%dma_start3A_169, %dma_start3A_170] : memref<40x125xi32, #tpu.memory_space<vmem>> -> memref<1x125xi32, #tpu.memory_space<vmem>>
    %dma_start3A_172 = tpu.memref_squeeze %dma_start3A_171 : memref<1x125xi32, #tpu.memory_space<vmem>> -> memref<125xi32, #tpu.memory_space<vmem>>
    %dma_start3A_173 = arith.constant 0 : i32
    %dma_start3A_174 = arith.constant 0 : i32
    %dma_start3A_175 = tpu.memref_slice %arg2[%dma_start3A_173, %dma_start3A_174] : memref<10000x128xf32, #tpu.memory_space<hbm>> -> memref<10000x128xf32, #tpu.memory_space<hbm>>
    tpu.enqueue_indirect_dma source(%dma_start3A_175 : memref<10000x128xf32, #tpu.memory_space<hbm>>) target(%arg9 : memref<125x128xf32, #tpu.memory_space<vmem>>) offsets(%dma_start3A_172 : memref<125xi32, #tpu.memory_space<vmem>>) semaphore(%arg11 : memref<!tpu.dma_semaphore, #tpu.memory_space<semaphore_mem>>)
    %scan3A_176 = arith.constant 0 : i32
    %scan3A_177 = arith.constant 1 : i32
    %scan3A_178 = arith.constant 18 : i32
    %scan3A_179 = arith.addi %scan3A_177, %scan3A_178 : i32
    %scan3A_180 = arith.constant 1 : i32
    scf.for %scan3A_243 = %scan3A_177 to %scan3A_179 step %scan3A_180  : i32 {
      %mul3A_244 = arith.constant 2 : i32
      %mul3A_245 = arith.muli %mul3A_244, %scan3A_243 : i32
      %dma_wait3A_246 = arith.constant 0 : i32
      %dma_wait3A_247 = tpu.memref_slice %arg7[%mul3A_245, %dma_wait3A_246] : memref<40x125xi32, #tpu.memory_space<vmem>> -> memref<1x125xi32, #tpu.memory_space<vmem>>
      %dma_wait3A_248 = tpu.memref_squeeze %dma_wait3A_247 : memref<1x125xi32, #tpu.memory_space<vmem>> -> memref<125xi32, #tpu.memory_space<vmem>>
      %dma_wait3A_249 = arith.constant 0 : i32
      %dma_wait3A_250 = arith.constant 0 : i32
      %dma_wait3A_251 = tpu.memref_slice %arg2[%dma_wait3A_249, %dma_wait3A_250] : memref<10000x128xf32, #tpu.memory_space<hbm>> -> memref<10000x128xf32, #tpu.memory_space<hbm>>
      tpu.wait_indirect_dma semaphore(%arg11 : memref<!tpu.dma_semaphore, #tpu.memory_space<semaphore_mem>>) src(%dma_wait3A_251 : memref<10000x128xf32, #tpu.memory_space<hbm>>) dst(%arg9 : memref<125x128xf32, #tpu.memory_space<vmem>>)
      %dma_start3A_252 = arith.constant 0 : i32
      %dma_start3A_253 = tpu.memref_slice %arg8[%mul3A_245, %dma_start3A_252] : memref<40x125xi32, #tpu.memory_space<vmem>> -> memref<1x125xi32, #tpu.memory_space<vmem>>
      %dma_start3A_254 = tpu.memref_squeeze %dma_start3A_253 : memref<1x125xi32, #tpu.memory_space<vmem>> -> memref<125xi32, #tpu.memory_space<vmem>>
      %dma_start3A_255 = arith.constant 0 : i32
      %dma_start3A_256 = arith.constant 0 : i32
      %dma_start3A_257 = tpu.memref_slice %arg15[%dma_start3A_255, %dma_start3A_256] : memref<10240x128xf32, #tpu.memory_space<vmem_shared>> -> memref<10240x128xf32, #tpu.memory_space<vmem_shared>>
      tpu.enqueue_indirect_dma source(%arg9 : memref<125x128xf32, #tpu.memory_space<vmem>>) target(%dma_start3A_257 : memref<10240x128xf32, #tpu.memory_space<vmem_shared>>) offsets(%dma_start3A_254 : memref<125xi32, #tpu.memory_space<vmem>>) semaphore(%arg13 : memref<!tpu.dma_semaphore, #tpu.memory_space<semaphore_mem>>) {add = true}
      %sub3A = arith.constant 1 : i32
      %sub3A_258 = arith.subi %mul3A_245, %sub3A : i32
      %dma_wait3A_259 = arith.constant 0 : i32
      %dma_wait3A_260 = tpu.memref_slice %arg8[%sub3A_258, %dma_wait3A_259] : memref<40x125xi32, #tpu.memory_space<vmem>> -> memref<1x125xi32, #tpu.memory_space<vmem>>
      %dma_wait3A_261 = tpu.memref_squeeze %dma_wait3A_260 : memref<1x125xi32, #tpu.memory_space<vmem>> -> memref<125xi32, #tpu.memory_space<vmem>>
      %dma_wait3A_262 = arith.constant 0 : i32
      %dma_wait3A_263 = arith.constant 0 : i32
      %dma_wait3A_264 = tpu.memref_slice %arg15[%dma_wait3A_262, %dma_wait3A_263] : memref<10240x128xf32, #tpu.memory_space<vmem_shared>> -> memref<10240x128xf32, #tpu.memory_space<vmem_shared>>
      tpu.wait_indirect_dma semaphore(%arg14 : memref<!tpu.dma_semaphore, #tpu.memory_space<semaphore_mem>>) src(%arg10 : memref<125x128xf32, #tpu.memory_space<vmem>>) dst(%dma_wait3A_264 : memref<10240x128xf32, #tpu.memory_space<vmem_shared>>)
      %add3A_265 = arith.constant 1 : i32
      %add3A_266 = arith.addi %mul3A_245, %add3A_265 : i32
      %dma_start3A_267 = arith.constant 0 : i32
      %dma_start3A_268 = tpu.memref_slice %arg7[%add3A_266, %dma_start3A_267] : memref<40x125xi32, #tpu.memory_space<vmem>> -> memref<1x125xi32, #tpu.memory_space<vmem>>
      %dma_start3A_269 = tpu.memref_squeeze %dma_start3A_268 : memref<1x125xi32, #tpu.memory_space<vmem>> -> memref<125xi32, #tpu.memory_space<vmem>>
      %dma_start3A_270 = arith.constant 0 : i32
      %dma_start3A_271 = arith.constant 0 : i32
      %dma_start3A_272 = tpu.memref_slice %arg2[%dma_start3A_270, %dma_start3A_271] : memref<10000x128xf32, #tpu.memory_space<hbm>> -> memref<10000x128xf32, #tpu.memory_space<hbm>>
      tpu.enqueue_indirect_dma source(%dma_start3A_272 : memref<10000x128xf32, #tpu.memory_space<hbm>>) target(%arg10 : memref<125x128xf32, #tpu.memory_space<vmem>>) offsets(%dma_start3A_269 : memref<125xi32, #tpu.memory_space<vmem>>) semaphore(%arg12 : memref<!tpu.dma_semaphore, #tpu.memory_space<semaphore_mem>>)
      %add3A_273 = arith.constant 1 : i32
      %add3A_274 = arith.addi %mul3A_245, %add3A_273 : i32
      %dma_wait3A_275 = arith.constant 0 : i32
      %dma_wait3A_276 = tpu.memref_slice %arg7[%add3A_274, %dma_wait3A_275] : memref<40x125xi32, #tpu.memory_space<vmem>> -> memref<1x125xi32, #tpu.memory_space<vmem>>
      %dma_wait3A_277 = tpu.memref_squeeze %dma_wait3A_276 : memref<1x125xi32, #tpu.memory_space<vmem>> -> memref<125xi32, #tpu.memory_space<vmem>>
      %dma_wait3A_278 = arith.constant 0 : i32
      %dma_wait3A_279 = arith.constant 0 : i32
      %dma_wait3A_280 = tpu.memref_slice %arg2[%dma_wait3A_278, %dma_wait3A_279] : memref<10000x128xf32, #tpu.memory_space<hbm>> -> memref<10000x128xf32, #tpu.memory_space<hbm>>
      tpu.wait_indirect_dma semaphore(%arg12 : memref<!tpu.dma_semaphore, #tpu.memory_space<semaphore_mem>>) src(%dma_wait3A_280 : memref<10000x128xf32, #tpu.memory_space<hbm>>) dst(%arg10 : memref<125x128xf32, #tpu.memory_space<vmem>>)
      %add3A_281 = arith.constant 1 : i32
      %add3A_282 = arith.addi %mul3A_245, %add3A_281 : i32
      %dma_start3A_283 = arith.constant 0 : i32
      %dma_start3A_284 = tpu.memref_slice %arg8[%add3A_282, %dma_start3A_283] : memref<40x125xi32, #tpu.memory_space<vmem>> -> memref<1x125xi32, #tpu.memory_space<vmem>>
      %dma_start3A_285 = tpu.memref_squeeze %dma_start3A_284 : memref<1x125xi32, #tpu.memory_space<vmem>> -> memref<125xi32, #tpu.memory_space<vmem>>
      %dma_start3A_286 = arith.constant 0 : i32
      %dma_start3A_287 = arith.constant 0 : i32
      %dma_start3A_288 = tpu.memref_slice %arg15[%dma_start3A_286, %dma_start3A_287] : memref<10240x128xf32, #tpu.memory_space<vmem_shared>> -> memref<10240x128xf32, #tpu.memory_space<vmem_shared>>
      tpu.enqueue_indirect_dma source(%arg10 : memref<125x128xf32, #tpu.memory_space<vmem>>) target(%dma_start3A_288 : memref<10240x128xf32, #tpu.memory_space<vmem_shared>>) offsets(%dma_start3A_285 : memref<125xi32, #tpu.memory_space<vmem>>) semaphore(%arg14 : memref<!tpu.dma_semaphore, #tpu.memory_space<semaphore_mem>>) {add = true}
      %dma_wait3A_289 = arith.constant 0 : i32
      %dma_wait3A_290 = tpu.memref_slice %arg8[%mul3A_245, %dma_wait3A_289] : memref<40x125xi32, #tpu.memory_space<vmem>> -> memref<1x125xi32, #tpu.memory_space<vmem>>
      %dma_wait3A_291 = tpu.memref_squeeze %dma_wait3A_290 : memref<1x125xi32, #tpu.memory_space<vmem>> -> memref<125xi32, #tpu.memory_space<vmem>>
      %dma_wait3A_292 = arith.constant 0 : i32
      %dma_wait3A_293 = arith.constant 0 : i32
      %dma_wait3A_294 = tpu.memref_slice %arg15[%dma_wait3A_292, %dma_wait3A_293] : memref<10240x128xf32, #tpu.memory_space<vmem_shared>> -> memref<10240x128xf32, #tpu.memory_space<vmem_shared>>
      tpu.wait_indirect_dma semaphore(%arg13 : memref<!tpu.dma_semaphore, #tpu.memory_space<semaphore_mem>>) src(%arg9 : memref<125x128xf32, #tpu.memory_space<vmem>>) dst(%dma_wait3A_294 : memref<10240x128xf32, #tpu.memory_space<vmem_shared>>)
      %add3A_295 = arith.constant 2 : i32
      %add3A_296 = arith.addi %mul3A_245, %add3A_295 : i32
      %dma_start3A_297 = arith.constant 0 : i32
      %dma_start3A_298 = tpu.memref_slice %arg7[%add3A_296, %dma_start3A_297] : memref<40x125xi32, #tpu.memory_space<vmem>> -> memref<1x125xi32, #tpu.memory_space<vmem>>
      %dma_start3A_299 = tpu.memref_squeeze %dma_start3A_298 : memref<1x125xi32, #tpu.memory_space<vmem>> -> memref<125xi32, #tpu.memory_space<vmem>>
      %dma_start3A_300 = arith.constant 0 : i32
      %dma_start3A_301 = arith.constant 0 : i32
      %dma_start3A_302 = tpu.memref_slice %arg2[%dma_start3A_300, %dma_start3A_301] : memref<10000x128xf32, #tpu.memory_space<hbm>> -> memref<10000x128xf32, #tpu.memory_space<hbm>>
      tpu.enqueue_indirect_dma source(%dma_start3A_302 : memref<10000x128xf32, #tpu.memory_space<hbm>>) target(%arg9 : memref<125x128xf32, #tpu.memory_space<vmem>>) offsets(%dma_start3A_299 : memref<125xi32, #tpu.memory_space<vmem>>) semaphore(%arg11 : memref<!tpu.dma_semaphore, #tpu.memory_space<semaphore_mem>>)
    }
    %scan3A_181 = arith.constant 18 : i32
    %dma_wait3A_182 = arith.constant 38 : i32
    %dma_wait3A_183 = arith.constant 0 : i32
    %dma_wait3A_184 = tpu.memref_slice %arg7[%dma_wait3A_182, %dma_wait3A_183] : memref<40x125xi32, #tpu.memory_space<vmem>> -> memref<1x125xi32, #tpu.memory_space<vmem>>
    %dma_wait3A_185 = tpu.memref_squeeze %dma_wait3A_184 : memref<1x125xi32, #tpu.memory_space<vmem>> -> memref<125xi32, #tpu.memory_space<vmem>>
    %dma_wait3A_186 = arith.constant 0 : i32
    %dma_wait3A_187 = arith.constant 0 : i32
    %dma_wait3A_188 = tpu.memref_slice %arg2[%dma_wait3A_186, %dma_wait3A_187] : memref<10000x128xf32, #tpu.memory_space<hbm>> -> memref<10000x128xf32, #tpu.memory_space<hbm>>
    tpu.wait_indirect_dma semaphore(%arg11 : memref<!tpu.dma_semaphore, #tpu.memory_space<semaphore_mem>>) src(%dma_wait3A_188 : memref<10000x128xf32, #tpu.memory_space<hbm>>) dst(%arg9 : memref<125x128xf32, #tpu.memory_space<vmem>>)
    %dma_start3A_189 = arith.constant 38 : i32
    %dma_start3A_190 = arith.constant 0 : i32
    %dma_start3A_191 = tpu.memref_slice %arg8[%dma_start3A_189, %dma_start3A_190] : memref<40x125xi32, #tpu.memory_space<vmem>> -> memref<1x125xi32, #tpu.memory_space<vmem>>
    %dma_start3A_192 = tpu.memref_squeeze %dma_start3A_191 : memref<1x125xi32, #tpu.memory_space<vmem>> -> memref<125xi32, #tpu.memory_space<vmem>>
    %dma_start3A_193 = arith.constant 0 : i32
    %dma_start3A_194 = arith.constant 0 : i32
    %dma_start3A_195 = tpu.memref_slice %arg15[%dma_start3A_193, %dma_start3A_194] : memref<10240x128xf32, #tpu.memory_space<vmem_shared>> -> memref<10240x128xf32, #tpu.memory_space<vmem_shared>>
    tpu.enqueue_indirect_dma source(%arg9 : memref<125x128xf32, #tpu.memory_space<vmem>>) target(%dma_start3A_195 : memref<10240x128xf32, #tpu.memory_space<vmem_shared>>) offsets(%dma_start3A_192 : memref<125xi32, #tpu.memory_space<vmem>>) semaphore(%arg13 : memref<!tpu.dma_semaphore, #tpu.memory_space<semaphore_mem>>) {add = true}
    %dma_wait3A_196 = arith.constant 37 : i32
    %dma_wait3A_197 = arith.constant 0 : i32
    %dma_wait3A_198 = tpu.memref_slice %arg8[%dma_wait3A_196, %dma_wait3A_197] : memref<40x125xi32, #tpu.memory_space<vmem>> -> memref<1x125xi32, #tpu.memory_space<vmem>>
    %dma_wait3A_199 = tpu.memref_squeeze %dma_wait3A_198 : memref<1x125xi32, #tpu.memory_space<vmem>> -> memref<125xi32, #tpu.memory_space<vmem>>
    %dma_wait3A_200 = arith.constant 0 : i32
    %dma_wait3A_201 = arith.constant 0 : i32
    %dma_wait3A_202 = tpu.memref_slice %arg15[%dma_wait3A_200, %dma_wait3A_201] : memref<10240x128xf32, #tpu.memory_space<vmem_shared>> -> memref<10240x128xf32, #tpu.memory_space<vmem_shared>>
    tpu.wait_indirect_dma semaphore(%arg14 : memref<!tpu.dma_semaphore, #tpu.memory_space<semaphore_mem>>) src(%arg10 : memref<125x128xf32, #tpu.memory_space<vmem>>) dst(%dma_wait3A_202 : memref<10240x128xf32, #tpu.memory_space<vmem_shared>>)
    %dma_start3A_203 = arith.constant 39 : i32
    %dma_start3A_204 = arith.constant 0 : i32
    %dma_start3A_205 = tpu.memref_slice %arg7[%dma_start3A_203, %dma_start3A_204] : memref<40x125xi32, #tpu.memory_space<vmem>> -> memref<1x125xi32, #tpu.memory_space<vmem>>
    %dma_start3A_206 = tpu.memref_squeeze %dma_start3A_205 : memref<1x125xi32, #tpu.memory_space<vmem>> -> memref<125xi32, #tpu.memory_space<vmem>>
    %dma_start3A_207 = arith.constant 0 : i32
    %dma_start3A_208 = arith.constant 0 : i32
    %dma_start3A_209 = tpu.memref_slice %arg2[%dma_start3A_207, %dma_start3A_208] : memref<10000x128xf32, #tpu.memory_space<hbm>> -> memref<10000x128xf32, #tpu.memory_space<hbm>>
    tpu.enqueue_indirect_dma source(%dma_start3A_209 : memref<10000x128xf32, #tpu.memory_space<hbm>>) target(%arg10 : memref<125x128xf32, #tpu.memory_space<vmem>>) offsets(%dma_start3A_206 : memref<125xi32, #tpu.memory_space<vmem>>) semaphore(%arg12 : memref<!tpu.dma_semaphore, #tpu.memory_space<semaphore_mem>>)
    %dma_wait3A_210 = arith.constant 39 : i32
    %dma_wait3A_211 = arith.constant 0 : i32
    %dma_wait3A_212 = tpu.memref_slice %arg7[%dma_wait3A_210, %dma_wait3A_211] : memref<40x125xi32, #tpu.memory_space<vmem>> -> memref<1x125xi32, #tpu.memory_space<vmem>>
    %dma_wait3A_213 = tpu.memref_squeeze %dma_wait3A_212 : memref<1x125xi32, #tpu.memory_space<vmem>> -> memref<125xi32, #tpu.memory_space<vmem>>
    %dma_wait3A_214 = arith.constant 0 : i32
    %dma_wait3A_215 = arith.constant 0 : i32
    %dma_wait3A_216 = tpu.memref_slice %arg2[%dma_wait3A_214, %dma_wait3A_215] : memref<10000x128xf32, #tpu.memory_space<hbm>> -> memref<10000x128xf32, #tpu.memory_space<hbm>>
    tpu.wait_indirect_dma semaphore(%arg12 : memref<!tpu.dma_semaphore, #tpu.memory_space<semaphore_mem>>) src(%dma_wait3A_216 : memref<10000x128xf32, #tpu.memory_space<hbm>>) dst(%arg10 : memref<125x128xf32, #tpu.memory_space<vmem>>)
    %dma_start3A_217 = arith.constant 39 : i32
    %dma_start3A_218 = arith.constant 0 : i32
    %dma_start3A_219 = tpu.memref_slice %arg8[%dma_start3A_217, %dma_start3A_218] : memref<40x125xi32, #tpu.memory_space<vmem>> -> memref<1x125xi32, #tpu.memory_space<vmem>>
    %dma_start3A_220 = tpu.memref_squeeze %dma_start3A_219 : memref<1x125xi32, #tpu.memory_space<vmem>> -> memref<125xi32, #tpu.memory_space<vmem>>
    %dma_start3A_221 = arith.constant 0 : i32
    %dma_start3A_222 = arith.constant 0 : i32
    %dma_start3A_223 = tpu.memref_slice %arg15[%dma_start3A_221, %dma_start3A_222] : memref<10240x128xf32, #tpu.memory_space<vmem_shared>> -> memref<10240x128xf32, #tpu.memory_space<vmem_shared>>
    tpu.enqueue_indirect_dma source(%arg10 : memref<125x128xf32, #tpu.memory_space<vmem>>) target(%dma_start3A_223 : memref<10240x128xf32, #tpu.memory_space<vmem_shared>>) offsets(%dma_start3A_220 : memref<125xi32, #tpu.memory_space<vmem>>) semaphore(%arg14 : memref<!tpu.dma_semaphore, #tpu.memory_space<semaphore_mem>>) {add = true}
    %dma_wait3A_224 = arith.constant 38 : i32
    %dma_wait3A_225 = arith.constant 0 : i32
    %dma_wait3A_226 = tpu.memref_slice %arg8[%dma_wait3A_224, %dma_wait3A_225] : memref<40x125xi32, #tpu.memory_space<vmem>> -> memref<1x125xi32, #tpu.memory_space<vmem>>
    %dma_wait3A_227 = tpu.memref_squeeze %dma_wait3A_226 : memref<1x125xi32, #tpu.memory_space<vmem>> -> memref<125xi32, #tpu.memory_space<vmem>>
    %dma_wait3A_228 = arith.constant 0 : i32
    %dma_wait3A_229 = arith.constant 0 : i32
    %dma_wait3A_230 = tpu.memref_slice %arg15[%dma_wait3A_228, %dma_wait3A_229] : memref<10240x128xf32, #tpu.memory_space<vmem_shared>> -> memref<10240x128xf32, #tpu.memory_space<vmem_shared>>
    tpu.wait_indirect_dma semaphore(%arg13 : memref<!tpu.dma_semaphore, #tpu.memory_space<semaphore_mem>>) src(%arg9 : memref<125x128xf32, #tpu.memory_space<vmem>>) dst(%dma_wait3A_230 : memref<10240x128xf32, #tpu.memory_space<vmem_shared>>)
    %dma_wait3A_231 = arith.constant 39 : i32
    %dma_wait3A_232 = arith.constant 0 : i32
    %dma_wait3A_233 = tpu.memref_slice %arg8[%dma_wait3A_231, %dma_wait3A_232] : memref<40x125xi32, #tpu.memory_space<vmem>> -> memref<1x125xi32, #tpu.memory_space<vmem>>
    %dma_wait3A_234 = tpu.memref_squeeze %dma_wait3A_233 : memref<1x125xi32, #tpu.memory_space<vmem>> -> memref<125xi32, #tpu.memory_space<vmem>>
    %dma_wait3A_235 = arith.constant 0 : i32
    %dma_wait3A_236 = arith.constant 0 : i32
    %dma_wait3A_237 = tpu.memref_slice %arg15[%dma_wait3A_235, %dma_wait3A_236] : memref<10240x128xf32, #tpu.memory_space<vmem_shared>> -> memref<10240x128xf32, #tpu.memory_space<vmem_shared>>
    tpu.wait_indirect_dma semaphore(%arg14 : memref<!tpu.dma_semaphore, #tpu.memory_space<semaphore_mem>>) src(%arg10 : memref<125x128xf32, #tpu.memory_space<vmem>>) dst(%dma_wait3A_237 : memref<10240x128xf32, #tpu.memory_space<vmem_shared>>)
    %barrier3A_238 = arith.constant 0 : index
    tpu.barrier barrier_id(%barrier3A_238)
    %mul3A_239 = arith.constant 640 : i32
    %mul3A_240 = arith.muli %arg1, %mul3A_239 : i32
    %mul3A_241 = arith.constant 640 : i32
    %mul3A_242 = arith.muli %arg1, %mul3A_241 : i32
    "tpu.region"() ({
      %run_scoped3A = tpu.sem_alloc : memref<!tpu.dma_semaphore, #tpu.memory_space<semaphore_mem>>
      %dma_start3A_243 = arith.constant 0 : i32
      %dma_start3A_244 = tpu.memref_slice %arg6[%arg0, %mul3A_242, %dma_start3A_243] : memref<2x10240x128xf32, #tpu.memory_space<hbm>> -> memref<1x640x128xf32, #tpu.memory_space<hbm>>
      %dma_start3A_245 = tpu.memref_squeeze %dma_start3A_244 : memref<1x640x128xf32, #tpu.memory_space<hbm>> -> memref<640x128xf32, #tpu.memory_space<hbm>>
      %dma_start3A_246 = arith.constant 0 : i32
      %dma_start3A_247 = tpu.memref_slice %arg15[%mul3A_240, %dma_start3A_246] : memref<10240x128xf32, #tpu.memory_space<vmem_shared>> -> memref<640x128xf32, #tpu.memory_space<vmem_shared>>
      tpu.enqueue_dma source(%dma_start3A_247 : memref<640x128xf32, #tpu.memory_space<vmem_shared>>) target(%dma_start3A_245 : memref<640x128xf32, #tpu.memory_space<hbm>>) target_semaphore(%run_scoped3A : memref<!tpu.dma_semaphore, #tpu.memory_space<semaphore_mem>>)
      %dma_wait3A_248 = arith.constant 0 : i32
      %dma_wait3A_249 = tpu.memref_slice %arg6[%arg0, %mul3A_242, %dma_wait3A_248] : memref<2x10240x128xf32, #tpu.memory_space<hbm>> -> memref<1x640x128xf32, #tpu.memory_space<hbm>>
      %dma_wait3A_250 = tpu.memref_squeeze %dma_wait3A_249 : memref<1x640x128xf32, #tpu.memory_space<hbm>> -> memref<640x128xf32, #tpu.memory_space<hbm>>
      %dma_wait3A_251 = arith.constant 0 : i32
      %dma_wait3A_252 = tpu.memref_slice %arg15[%mul3A_240, %dma_wait3A_251] : memref<10240x128xf32, #tpu.memory_space<vmem_shared>> -> memref<640x128xf32, #tpu.memory_space<vmem_shared>>
      tpu.wait_dma2 semaphore(%run_scoped3A : memref<!tpu.dma_semaphore, #tpu.memory_space<semaphore_mem>>) src(%dma_wait3A_252 : memref<640x128xf32, #tpu.memory_space<vmem_shared>>) dst(%dma_wait3A_250 : memref<640x128xf32, #tpu.memory_space<hbm>>)
      tpu.yield
    }) : () -> ()
    return
  }
}

module attributes {stable_mosaic.version = 14 : i64} {
  func.func @_init_mm_kernel(%arg0: i32, %arg1: memref<1000x128xf32, #tpu.memory_space<vmem>>, %arg2: memref<128x128xf32, #tpu.memory_space<vmem>>, %arg3: memref<1000x128xf32, #tpu.memory_space<vmem>>) attributes {dimension_semantics = [#tpu.dimension_semantics<arbitrary>], iteration_bounds = array<i64: 10>, scalar_prefetch = 0 : i64, scratch_operands = 0 : i64, tpu.core_type = #tpu.core_type<tc>, window_params = [{transform_indices = @transform_0, window_bounds = array<i64: 1000, 128>}, {pipeline_mode = #tpu.pipeline_mode<synchronous>, transform_indices = @transform_1, window_bounds = array<i64: 128, 128>}, {transform_indices = @transform_2, window_bounds = array<i64: 1000, 128>}]} {
    %get3A = arith.constant 0 : index
    %get3A_0 = arith.constant 0 : index
    %get3A_1 = vector.load %arg1[%get3A, %get3A_0] : memref<1000x128xf32, #tpu.memory_space<vmem>>, vector<1000x128xf32>
    %get3A_2 = arith.constant 0 : index
    %get3A_3 = arith.constant 0 : index
    %get3A_4 = vector.load %arg2[%get3A_2, %get3A_3] : memref<128x128xf32, #tpu.memory_space<vmem>>, vector<128x128xf32>
    %dot_general3A = arith.constant dense<0.000000e+00> : vector<1000x128xf32>
    %dot_general3A_5 = tpu.matmul %get3A_1, %get3A_4, %dot_general3A {dimension_numbers = #tpu.dot_dimension_numbers<[1], [0], [0], [1], [0, 0, 1, 1], [], []>, transpose_lhs_hint = false} : vector<1000x128xf32>, vector<128x128xf32>, vector<1000x128xf32> -> vector<1000x128xf32>
    %swap3A = arith.constant 0 : index
    %swap3A_6 = arith.constant 0 : index
    %swap3A_7 = vector.load %arg3[%swap3A, %swap3A_6] : memref<1000x128xf32, #tpu.memory_space<vmem>>, vector<1000x128xf32>
    tpu.vector_store %arg3[%swap3A, %swap3A_6], %dot_general3A_5 {strides = array<i32>} : memref<1000x128xf32, #tpu.memory_space<vmem>>, vector<1000x128xf32>,
    return
  }
  func.func @transform_0(%arg0: i32) -> (i32, i32) {
    %c0_i32 = arith.constant 0 : i32
    %c0_i32_0 = arith.constant 0 : i32
    return %arg0, %c0_i32 : i32, i32
  }
  func.func @transform_1(%arg0: i32) -> (i32, i32) {
    %c0_i32 = arith.constant 0 : i32
    %c0_i32_0 = arith.constant 0 : i32
    %c0_i32_1 = arith.constant 0 : i32
    return %c0_i32, %c0_i32_0 : i32, i32
  }
  func.func @transform_2(%arg0: i32) -> (i32, i32) {
    %c0_i32 = arith.constant 0 : i32
    %c0_i32_0 = arith.constant 0 : i32
    return %arg0, %c0_i32 : i32, i32
  }
}

module attributes {stable_mosaic.version = 14 : i64} {
  func.func @_mm_relu_kernel(%arg0: i32, %arg1: memref<1000x128xf32, #tpu.memory_space<vmem>>, %arg2: memref<128x128xf32, #tpu.memory_space<vmem>>, %arg3: memref<1x128xf32, #tpu.memory_space<vmem>>, %arg4: memref<1000x128xf32, #tpu.memory_space<vmem>>) attributes {dimension_semantics = [#tpu.dimension_semantics<arbitrary>], iteration_bounds = array<i64: 10>, scalar_prefetch = 0 : i64, scratch_operands = 0 : i64, tpu.core_type = #tpu.core_type<tc>, window_params = [{transform_indices = @transform_0, window_bounds = array<i64: 1000, 128>}, {pipeline_mode = #tpu.pipeline_mode<synchronous>, transform_indices = @transform_1, window_bounds = array<i64: 128, 128>}, {pipeline_mode = #tpu.pipeline_mode<synchronous>, transform_indices = @transform_2, window_bounds = array<i64: 1, 128>}, {transform_indices = @transform_3, window_bounds = array<i64: 1000, 128>}]} {
    %get3A = arith.constant 0 : index
    %get3A_0 = arith.constant 0 : index
    %get3A_1 = vector.load %arg1[%get3A, %get3A_0] : memref<1000x128xf32, #tpu.memory_space<vmem>>, vector<1000x128xf32>
    %get3A_2 = arith.constant 0 : index
    %get3A_3 = arith.constant 0 : index
    %get3A_4 = vector.load %arg2[%get3A_2, %get3A_3] : memref<128x128xf32, #tpu.memory_space<vmem>>, vector<128x128xf32>
    %dot_general3A = arith.constant dense<0.000000e+00> : vector<1000x128xf32>
    %dot_general3A_5 = tpu.matmul %get3A_1, %get3A_4, %dot_general3A {dimension_numbers = #tpu.dot_dimension_numbers<[1], [0], [0], [1], [0, 0, 1, 1], [], []>, transpose_lhs_hint = false} : vector<1000x128xf32>, vector<128x128xf32>, vector<1000x128xf32> -> vector<1000x128xf32>
    %get3A_6 = arith.constant 0 : index
    %get3A_7 = arith.constant 0 : index
    %get3A_8 = vector.load %arg3[%get3A_6, %get3A_7] : memref<1x128xf32, #tpu.memory_space<vmem>>, vector<1x128xf32>
    %add3A = vector.broadcast %get3A_8 : vector<1x128xf32> to vector<1000x128xf32>
    %add3A_9 = arith.addf %dot_general3A_5, %add3A : vector<1000x128xf32>
    %max3A = arith.constant 0.000000e+00 : f32
    %max3A_10 = vector.broadcast %max3A : f32 to vector<1000x128xf32>
    %max3A_11 = arith.maximumf %add3A_9, %max3A_10 : vector<1000x128xf32>
    %swap3A = arith.constant 0 : index
    %swap3A_12 = arith.constant 0 : index
    %swap3A_13 = vector.load %arg4[%swap3A, %swap3A_12] : memref<1000x128xf32, #tpu.memory_space<vmem>>, vector<1000x128xf32>
    tpu.vector_store %arg4[%swap3A, %swap3A_12], %max3A_11 {strides = array<i32>} : memref<1000x128xf32, #tpu.memory_space<vmem>>, vector<1000x128xf32>,
    return
  }
  func.func @transform_0(%arg0: i32) -> (i32, i32) {
    %c0_i32 = arith.constant 0 : i32
    %c0_i32_0 = arith.constant 0 : i32
    return %arg0, %c0_i32 : i32, i32
  }
  func.func @transform_1(%arg0: i32) -> (i32, i32) {
    %c0_i32 = arith.constant 0 : i32
    %c0_i32_0 = arith.constant 0 : i32
    %c0_i32_1 = arith.constant 0 : i32
    return %c0_i32, %c0_i32_0 : i32, i32
  }
  func.func @transform_2(%arg0: i32) -> (i32, i32) {
    %c0_i32 = arith.constant 0 : i32
    %c0_i32_0 = arith.constant 0 : i32
    %c0_i32_1 = arith.constant 0 : i32
    return %c0_i32, %c0_i32_0 : i32, i32
  }
  func.func @transform_3(%arg0: i32) -> (i32, i32) {
    %c0_i32 = arith.constant 0 : i32
    %c0_i32_0 = arith.constant 0 : i32
    return %arg0, %c0_i32 : i32, i32
  }
}

module attributes {stable_mosaic.version = 14 : i64} {
  func.func @_conv_add_kernel(%arg0: i32, %arg1: memref<2x1000x128xf32, #tpu.memory_space<vmem>>, %arg2: memref<128x128xf32, #tpu.memory_space<vmem>>, %arg3: memref<1x128xf32, #tpu.memory_space<vmem>>, %arg4: memref<1000x128xf32, #tpu.memory_space<vmem>>, %arg5: memref<1000x128xf32, #tpu.memory_space<vmem>>) attributes {dimension_semantics = [#tpu.dimension_semantics<arbitrary>], iteration_bounds = array<i64: 10>, scalar_prefetch = 0 : i64, scratch_operands = 0 : i64, tpu.core_type = #tpu.core_type<tc>, window_params = [{transform_indices = @transform_0, window_bounds = array<i64: 2, 1000, 128>}, {pipeline_mode = #tpu.pipeline_mode<synchronous>, transform_indices = @transform_1, window_bounds = array<i64: 128, 128>}, {pipeline_mode = #tpu.pipeline_mode<synchronous>, transform_indices = @transform_2, window_bounds = array<i64: 1, 128>}, {transform_indices = @transform_3, window_bounds = array<i64: 1000, 128>}, {transform_indices = @transform_4, window_bounds = array<i64: 1000, 128>}]} {
    %get3A = arith.constant 0 : index
    %get3A_0 = arith.constant 0 : index
    %get3A_1 = arith.constant 0 : index
    %get3A_2 = vector.load %arg1[%get3A, %get3A_0, %get3A_1] : memref<2x1000x128xf32, #tpu.memory_space<vmem>>, vector<1x1000x128xf32>
    %get3A_3 = vector.shape_cast %get3A_2 : vector<1x1000x128xf32> to vector<1000x128xf32>
    %get3A_4 = arith.constant 1 : index
    %get3A_5 = arith.constant 0 : index
    %get3A_6 = arith.constant 0 : index
    %get3A_7 = vector.load %arg1[%get3A_4, %get3A_5, %get3A_6] : memref<2x1000x128xf32, #tpu.memory_space<vmem>>, vector<1x1000x128xf32>
    %get3A_8 = vector.shape_cast %get3A_7 : vector<1x1000x128xf32> to vector<1000x128xf32>
    %add3A = arith.addf %get3A_3, %get3A_8 : vector<1000x128xf32>
    %get3A_9 = arith.constant 0 : index
    %get3A_10 = arith.constant 0 : index
    %get3A_11 = vector.load %arg2[%get3A_9, %get3A_10] : memref<128x128xf32, #tpu.memory_space<vmem>>, vector<128x128xf32>
    %dot_general3A = arith.constant dense<0.000000e+00> : vector<1000x128xf32>
    %dot_general3A_12 = tpu.matmul %add3A, %get3A_11, %dot_general3A {dimension_numbers = #tpu.dot_dimension_numbers<[1], [0], [0], [1], [0, 0, 1, 1], [], []>, transpose_lhs_hint = false} : vector<1000x128xf32>, vector<128x128xf32>, vector<1000x128xf32> -> vector<1000x128xf32>
    %get3A_13 = arith.constant 0 : index
    %get3A_14 = arith.constant 0 : index
    %get3A_15 = vector.load %arg3[%get3A_13, %get3A_14] : memref<1x128xf32, #tpu.memory_space<vmem>>, vector<1x128xf32>
    %add3A_16 = vector.broadcast %get3A_15 : vector<1x128xf32> to vector<1000x128xf32>
    %add3A_17 = arith.addf %dot_general3A_12, %add3A_16 : vector<1000x128xf32>
    %max3A = arith.constant 0.000000e+00 : f32
    %max3A_18 = vector.broadcast %max3A : f32 to vector<1000x128xf32>
    %max3A_19 = arith.maximumf %add3A_17, %max3A_18 : vector<1000x128xf32>
    %get3A_20 = arith.constant 0 : index
    %get3A_21 = arith.constant 0 : index
    %get3A_22 = vector.load %arg4[%get3A_20, %get3A_21] : memref<1000x128xf32, #tpu.memory_space<vmem>>, vector<1000x128xf32>
    %add3A_23 = arith.addf %max3A_19, %get3A_22 : vector<1000x128xf32>
    %swap3A = arith.constant 0 : index
    %swap3A_24 = arith.constant 0 : index
    %swap3A_25 = vector.load %arg5[%swap3A, %swap3A_24] : memref<1000x128xf32, #tpu.memory_space<vmem>>, vector<1000x128xf32>
    tpu.vector_store %arg5[%swap3A, %swap3A_24], %add3A_23 {strides = array<i32>} : memref<1000x128xf32, #tpu.memory_space<vmem>>, vector<1000x128xf32>,
    return
  }
  func.func @transform_0(%arg0: i32) -> (i32, i32, i32) {
    %c0_i32 = arith.constant 0 : i32
    %c0_i32_0 = arith.constant 0 : i32
    %c0_i32_1 = arith.constant 0 : i32
    return %c0_i32, %arg0, %c0_i32_0 : i32, i32, i32
  }
  func.func @transform_1(%arg0: i32) -> (i32, i32) {
    %c0_i32 = arith.constant 0 : i32
    %c0_i32_0 = arith.constant 0 : i32
    %c0_i32_1 = arith.constant 0 : i32
    return %c0_i32, %c0_i32_0 : i32, i32
  }
  func.func @transform_2(%arg0: i32) -> (i32, i32) {
    %c0_i32 = arith.constant 0 : i32
    %c0_i32_0 = arith.constant 0 : i32
    %c0_i32_1 = arith.constant 0 : i32
    return %c0_i32, %c0_i32_0 : i32, i32
  }
  func.func @transform_3(%arg0: i32) -> (i32, i32) {
    %c0_i32 = arith.constant 0 : i32
    %c0_i32_0 = arith.constant 0 : i32
    return %arg0, %c0_i32 : i32, i32
  }
  func.func @transform_4(%arg0: i32) -> (i32, i32) {
    %c0_i32 = arith.constant 0 : i32
    %c0_i32_0 = arith.constant 0 : i32
    return %arg0, %c0_i32 : i32, i32
  }
}

</mosaic_0001>

<sc_bundles>
// kernel: kernel.12.cloned.1.call-start
scs
__scs_entry_jumppad:
0x0: {  	(pc) =	sbr.rel $0x88, $3  }
0x1: {  	(tag) =	ssettag $0x0;
	lr =	simm.s32 $0x1  }
0x2: {  	[smem:$0x3F96] =	sst lr;
	_ =	strace $0xD0000000  }
0x3: {  	_ = 	snop  }
0x4: {  	_ = 	snop  }
0x5: {  	_ = 	snop  }
0x6: {  	_ = 	snop  }
0x7: {  	_ = 	snop  }
__scs_overlays_trampoline_lowered:
0x8: {  	[smem:$0x3FA5] =	sst s0  }
0x9: {  	[smem:$0x3FA6] =	sst s1  }
0xa: {  	[smem:$0x3FA7] =	sst s2  }
0xb: {  	[smem:$0x3FA8] =	sst s3  }
0xc: {  	[smem:$0x3FA9] =	sst s4  }
0xd: {  	[smem:$0x3FAA] =	sst s5  }
0xe: {  	[smem:$0x3FAB] =	sst s6  }
0xf: {  	[smem:$0x3FAC] =	sst s7  }
0x10: {  	[smem:$0x3FAD] =	sst s8  }
0x11: {  	[smem:$0x3FAE] =	sst s9;
	s0 =	simm.s32 @!p0 $0x0  }
0x12: {  	s1 =	sld [smem:$0x3F94];
	s0 =	simm.s32 @p0 $0x1  }
0x13: {  	[smem:$0x3FAF] =	sst s0;
	s0 =	simm.s32 @!p1 $0x0  }
0x14: {  	s2 =	sld [smem:$0x3F93];
	s0 =	simm.s32 @p1 $0x1  }
0x15: {  	[smem:$0x3FB0] =	sst s0;
	s0 =	simm.s32 @!p2 $0x0  }
0x16: {  	s3 =	sld [smem:$0x3FDB];
	s0 =	simm.s32 @p2 $0x1  }
0x17: {  	s4 =	simm.s32 $0x1BF5;
	[smem:$0x3FB2] =	sst s0  }
0x18: {  	s0 =	sld [smem:$0x3F95];
	_ =	swait.ge [sflag:s4], $0x0  }
0x19: {  	s7 =	sld [smem:$0x3F96]  }
0x1a: {  	s8 =	sadd.s32 $0xFFFFE003, lr  }
0x1b: {  	s9 =	sadd.s32 $0xFFFFFEF7, lr;
	s5 =	simm.s32 $0xFFFFFFFF;
	p2 =	slt.u32 s8, $0xFFFFF086  }
0x1c: {  	p1 =	slt.u32 s9, $0xF7A;
	s5 =	simm.s32 @!p2 $0x0  }
0x1d: {  	s5 =	simm.s32 @p1 $0x1;
	p0 =	seq.s32 s7, s2  }
0x1e: {  	s7 =	smul.u32 @!p0 $0xF7A, s2;
	p2 =	seq.s32 @!p0 s5, $0x0  }
0x1f: {  	s9 =	smul.u32 $0xF7A, s1;
	s8 =	simm.s32 @!p0 $0x1BF5;
	p2 =	por !p2, p0  }
0x20: {  	[sflag:s8] =	ssyncset.s32 @!p0 $0xFFFFF086;
	s6 =	sadd.s32 @!p0 s3, s7;
	s7 =	simm.s32 @!p0 $0x108  }
0x21: {  	s3 =	sadd.s32 s3, s9;
	s6 =	sadd.s32 @!p0 $0x88, s6;
	s7 =	simm.s32 @p2 $0x1082  }
0x22: {  	[simem:s7], [sflag:s8] =	dma.local @!p0 [hbm:s6], $0xF7A  }
0x23: {  	s9 =	sor.u32 $0xD0000000, s2;
	s6 =	simm.s32 $0x108;
	_ =	swait.ge @!p0 [sflag:s8], $0x0  }
0x24: {  	s3 =	sadd.s32 $0x88, s3;
	s6 =	simm.s32 @!p1 $0x1082;
	[sflag:s4] =	ssyncset.s32 $0xFFFFF086  }
0x25: {  	[simem:s6], [sflag:s4] =	dma.local [hbm:s3], $0xF7A  }
0x26: {  	[smem:$0x3F96] =	sst s1;
	(tag) =	ssettag s2;
	_ =	strace s9  }
0x27: {  	s1 =	sld [smem:$0x3FA6]  }
0x28: {  	s2 =	sld [smem:$0x3FA7]  }
0x29: {  	s4 =	sld [smem:$0x3FA9]  }
0x2a: {  	p0 =	seq.s32 s5, $0x0;
	s5 =	sld [smem:$0x3FAA]  }
0x2b: {  	s6 =	sld [smem:$0x3FAB]  }
0x2c: {  	s7 =	sld [smem:$0x3FAC]  }
0x2d: {  	s3 =	simm.s32 $0x108;
	s8 =	sld [smem:$0x3FAD]  }
0x2e: {  	s3 =	simm.s32 @!p0 $0x1082;
	s9 =	sld [smem:$0x3FAE]  }
0x2f: {  	lr =	sadd.s32 s0, s3;
	s0 =	sld [smem:$0x3FA5]  }
0x30: {  	s3 =	sld [smem:$0x3FA8]  }
0x31: {  	[smem:$0x3FB1] =	sst s10  }
0x32: {  	s10 =	sld [smem:$0x3FAF];
	_ =	sdelay $0x3  }
0x33: {  	p0 =	seq.s32 s10, $0x1;
	s10 =	sld [smem:$0x3FB1];
	_ =	sdelay $0x3  }
0x34: {  	[smem:$0x3FB1] =	sst s10  }
0x35: {  	s10 =	sld [smem:$0x3FB0];
	_ =	sdelay $0x3  }
0x36: {  	p1 =	seq.s32 s10, $0x1;
	s10 =	sld [smem:$0x3FB1];
	_ =	sdelay $0x3  }
0x37: {  	[smem:$0x3FB1] =	sst s10  }
0x38: {  	s10 =	sld [smem:$0x3FB2]  }
0x39: {  	_ = 	snop;
	(pc) =	sbr.ind lr, $3  }
0x3a: {  	_ = 	snop  }
0x3b: {  	_ = 	snop  }
0x3c: {  	p2 =	seq.s32 s10, $0x1;
	s10 =	sld [smem:$0x3FB1]  }
0x3d: {  	_ =	shalt  }
0x3e: {  	_ =	shalt  }
0x3f: {  	_ =	shalt  }
0x40: {  	_ =	shalt  }
0x41: {  	_ =	shalt  }
0x42: {  	_ =	shalt  }
0x43: {  	_ =	shalt  }
0x44: {  	_ =	shalt  }
0x45: {  	_ =	shalt  }
0x46: {  	_ =	shalt  }
0x47: {  	_ =	shalt  }
0x48: {  	_ =	shalt  }
0x49: {  	_ =	shalt  }
0x4a: {  	_ =	shalt  }
0x4b: {  	_ =	shalt  }
0x4c: {  	_ =	shalt  }
0x4d: {  	_ =	shalt  }
0x4e: {  	_ =	shalt  }
0x4f: {  	_ =	shalt  }
0x50: {  	_ =	shalt  }
0x51: {  	_ =	shalt  }
0x52: {  	_ =	shalt  }
0x53: {  	_ =	shalt  }
0x54: {  	_ =	shalt  }
0x55: {  	_ =	shalt  }
0x56: {  	_ =	shalt  }
0x57: {  	_ =	shalt  }
0x58: {  	_ =	shalt  }
0x59: {  	_ =	shalt  }
0x5a: {  	_ =	shalt  }
0x5b: {  	_ =	shalt  }
0x5c: {  	_ =	shalt  }
0x5d: {  	_ =	shalt  }
0x5e: {  	_ =	shalt  }
0x5f: {  	_ =	shalt  }
0x60: {  	_ =	shalt  }
0x61: {  	_ =	shalt  }
0x62: {  	_ =	shalt  }
0x63: {  	_ =	shalt  }
0x64: {  	_ =	shalt  }
0x65: {  	_ =	shalt  }
0x66: {  	_ =	shalt  }
0x67: {  	_ =	shalt  }
0x68: {  	_ =	shalt  }
0x69: {  	_ =	shalt  }
0x6a: {  	_ =	shalt  }
0x6b: {  	_ =	shalt  }
0x6c: {  	_ =	shalt  }
0x6d: {  	_ =	shalt  }
0x6e: {  	_ =	shalt  }
0x6f: {  	_ =	shalt  }
0x70: {  	_ =	shalt  }
0x71: {  	_ =	shalt  }
0x72: {  	_ =	shalt  }
0x73: {  	_ =	shalt  }
0x74: {  	_ =	shalt  }
0x75: {  	_ =	shalt  }
0x76: {  	_ =	shalt  }
0x77: {  	_ =	shalt  }
0x78: {  	_ =	shalt  }
0x79: {  	_ =	shalt  }
0x7a: {  	_ =	shalt  }
0x7b: {  	_ =	shalt  }
0x7c: {  	_ =	shalt  }
0x7d: {  	_ =	shalt  }
0x7e: {  	_ =	shalt  }
0x7f: {  	_ =	shalt  }
0x80: {  	_ =	shalt  }
0x81: {  	_ =	shalt  }
0x82: {  	_ =	shalt  }
0x83: {  	_ =	shalt  }
0x84: {  	_ =	shalt  }
0x85: {  	_ =	shalt  }
0x86: {  	_ =	shalt  }
0x87: {  	_ =	shalt  }
.Lfunc_end0:
.L_simem_size_0:
called_computation.1_lowered:
.L_overlay_start_0:
0x88: {  	s2 =	sld [smem:$0x3FD9]  }
0x89: {  	s3 =	sld [smem:$0x3FFE];
	_ =	sdelay $0x1  }
0x8a: {  	s1 =	srdreg.scid  }
0x8b: {  	s0 =	sand.u32 $0x1, s1  }
0x8c: {  	s17 =	sshll.u32 s0, $0xA;
	s2 =	sadd.s32 s3, s2  }
0x8d: {  	s2 =	sadd.s32 s2, s17  }
0x8e: {  	[smem:$0x3FBD] =	sst s2  }
0x8f: {  	_ = 	snop  }
0x90: {  	s2 =	sld [smem:$0x3FD0];
	(tm) =	ssettm $0x1  }
0x91: {  	s18 =	sld [smem:$0x3FFB];
	_ =	sdelay $0x3  }
0x92: {  	_ =	strace s18  }
0x93: {  	s3 =	sld [smem:$0x3FFC];
	_ =	sdelay $0x3  }
0x94: {  	_ =	strace s3  }
0x95: {  	s3 =	sld [smem:$0x3FFD];
	_ =	sdelay $0x3  }
0x96: {  	_ =	strace s3  }
0x97: {  	_ =	strace $0x8FFFFFFF  }
0x98: {  	s19 =	sld [smem:$0x3FDB];
	_ =	sdelay $0x1  }
0x99: {  	s4 =	simm.s32 $_scs_section_size  }
0x9a: {  	s5 =	simm.s32 $_size__tile_overlayer_lowered;
	s6 =	simm.s32 $_tile_overlayer_lowered  }
0x9b: {  	s22 =	simm.s32 $0x1BFF;
	s21 =	sshll.u32 s6, $0x1;
	s3 =	sadd.s32 s4, s19  }
0x9c: {  	s7 =	simm.s32 $0x0;
	s20 =	sshll.u32 s5, $0x1;
	s5 =	sadd.s32 s21, s3  }
0x9d: {  	[timem:s7], [sflag:s22] =	dma.local [hbm:s5], s20  }
0x9e: {  	_ =	swait.ge [sflag:s22], s20  }
0x9f: {  	s4 =	ssub.s32 $0x0, s20;
	[sflag:s22] =	ssyncset.done $0x0  }
0xa0: {  	[sflag:s22] =	ssyncadd.s32 s4;
	_ =	sdelay $0x1  }
0xa1: {  	s23 =	simm.s32 $0x1B8B  }
0xa2: {  	_ =	swait.ge [sflag:s23], $0x1  }
0xa3: {  	[sflag:s23] =	ssyncset.done $0x0  }
0xa4: {  	s25 =	simm.s32 $0x1B8E;
	s24 =	sld [smem:$0x3FFE];
	[sflag:s23] =	ssyncadd.s32 $0xFFFFFFFF  }
0xa5: {  	s26 =	simm.s32 $execute0_lowered;
	[smem:$0x3FD2] =	sst s25  }
0xa6: {  	s5 =	sshll.u32 s26, $0x1;
	_ =	strace $0x80000049;
	[dreg:$0x1] =	wrdreg $0xFFFFFFFF  }
0xa7: {  	s28 =	simm.s32 $_size_execute0_lowered;
	s3 =	sadd.s32 s3, s5;
	[dreg:$0x0] =	wrdreg $0x0  }
0xa8: {  	s5 =	sshll.u32 s28, $0x1;
	[dreg:$0x2] =	wrdreg s3  }
0xa9: {  	[dreg:$0x3] =	wrdreg s5  }
0xaa: {  	[dreg:$0x4] =	wrdreg $0xC0  }
0xab: {  	_ =	task [dreg:s7], $0x5FFFF  }
0xac: {  	[dreg:$0x1] =	wrdreg $0xFFFFFFFF  }
0xad: {  	[dreg:$0x0] =	wrdreg $0x60  }
0xae: {  	[dreg:$0x2] =	wrdreg s24  }
0xaf: {  	[dreg:$0x3] =	wrdreg s2  }
0xb0: {  	[dreg:$0x4] =	wrdreg $0xA8000  }
0xb1: {  	[dreg:$0x5] =	wrdreg $0x9  }
0xb2: {  	_ =	task.clear_ibuf [dreg:s7], $0x6FFFF;
	_ =	strace $0x90000049  }
0xb3: {  	s29 =	simm.s32 $0x9;
	_ =	strace $0x8000004B  }
0xb4: {  	_ =	swait.ge [sflag:s29], $0x1  }
0xb5: {  	[sflag:s29] =	ssyncadd.s32 $0xFFFFFFFF  }
0xb6: {  	_ =	strace $0x9000004B  }
0xb7: {  	_ =	sfence  }
0xb8: {  	s30 =	sld [smem:$0x0];
	_ =	sdelay $0x2  }
0xb9: {  	s31 =	sshll.u32 s1, $0xD;
	s1 =	sshrl.u32 s1, $0x2  }
0xba: {  	s3 =	sand.u32 $0x4000, s31;
	s1 =	sadd.s32 s1, s30  }
0xbb: {  	s0 =	sor.u32 s3, s0;
	s1 =	sshll.u32 s1, $0x11  }
0xbc: {  	s0 =	sor.u32 s1, s0  }
0xbd: {  	s0 =	sadd.s32 $0x8F2B, s0  }
0xbe: {  	[sflag:s0] =	ssyncadd.remote.s32 $0x1  }
0xbf: {  	_ =	sfence.sel $0xFFFF  }
0xc0: {  	[dreg:$0x0] =	wrdreg $0xFFFFFFFF;
	(pc) =	sbr.abs _section_cstart, $3  }
0xc1: {  	[dreg:$0x1] =	wrdreg $0xFFFFFFFF  }
0xc2: {  	_ =	task.clear_ibuf [dreg:s7], $0x2FFFF;
	_ =	strace $0x9FFFFFFF  }
0xc3: {  	(tm) =	ssettm $0x7FFFFFFF  }
tec
execute0_lowered:
.L_overlay_start_1:
0x0: {  	(tag) =	ssettag $0x1  }
0x1: {  	s1 =	rddreg [dreg:$0x0]  }
0x2: {  	s5 =	rddreg [dreg:$0x1]  }
0x3: {  	s3 =	srdreg.scid;
	s0 =	stileid.u32  }
0x4: {  	s2 =	rddreg [dreg:$0x2];
	s15 =	simm.s32 $0x1400;
	s16 =	simm.s32 $0x7D  }
0x5: {  	s17 =	simm.s32 $0x2800;
	s18 =	simm.s32 $0x1;
	s19 =	simm.s32 $0x80  }
0x6: {  	s20 =	simm.s32 $0x6800;
	s21 =	simm.s32 $0x2;
	s28 =	simm.s32 $0x1380  }
0x7: {  	s29 =	simm.s32 $0x2780;
	s30 =	simm.s32 $0x0;
	s6 =	sand.u32 $0x1, s3  }
0x8: {  	s7 =	smul.u32 $0x14000, s0;
	s3 =	simm.s32 $0x0;
	s4 =	sadd.s32 $0x16000, s1  }
0x9: {  	s9 =	sadd.s32 $0x2000, s1;
	s10 =	sadd.s32 $0xC000, s1;
	s12 =	smul.u32 $0x50000, s0  }
0xa: {  	s13 =	sshll.u32 s0, $0x1;
	s31 =	sshll.u32 s0, $0x6;
	s8 =	smul.u32 $0x140000, s6  }
0xb: {  	[smem:$0x7FF] =	sst s3;
	s11 =	ssub.s32 $0x2, s6;
	s6 =	sor.u32 s6, s13  }
0xc: {  	_ =	strace $0x8000004A;
	s22 =	sshrl.u32 s11, $0x1;
	s24 =	sshrl.u32 s12, $0x2  }
0xd: {  	s25 =	smul.u32 $0x2800, s6;
	s26 =	sshrl.u32 s7, $0x3;
	s6 =	sor.u32 $0x1C05, s31  }
0xe: {  	s8 =	sadd.s32 s7, s8;
	s23 =	ssub.s32 s11, s22;
	s14 =	sadd.s32 s24, s2  }
0xf: {  	s5 =	sadd.s32 s5, s26;
	s22 =	simm.s32 $0x1480;
	s24 =	simm.s32 $0x100  }
0x10: {  	s26 =	simm.s32 $0x2700;
	s8 =	sshrl.u32 s8, $0x3;
	s11 =	sshrl.u32 s25, $0x3  }
0x11: {  	s12 =	smax.u32 s23, $0x1;
	s13 =	sshrl.u32 s14, $0x3;
	s14 =	simm.s32 $0x5  }
0x12: {  	s23 =	simm.s32 $0x3;
	s25 =	simm.s32 $0x4;
	s1 =	sadd.s32 s8, s1  }
0x13: {  	s7 =	sadd.s32 s9, s11;
	s8 =	sadd.s32 s10, s11;
	s11 =	sadd.s32 $0x280, s11  }
0x14: {  	s9 =	sadd.s32 s9, s11;
	s10 =	sadd.s32 s10, s11;
	s11 =	sadd.s32 $0x3D200, s1  }
.LBB2_1:
0x15: {  	[spmem:s13], [sflag:s6] =	dma.local [hbm:s5], $0x2800  }
0x16: {  	_ =	swait.ge [sflag:s14], $0x2800  }
0x17: {  	[sflag:s14] =	ssyncset.done $0x0  }
0x18: {  	[sflag:s14] =	ssyncadd.s32 $0xFFFFD800  }
0x19: {  	[bflag:$0x0] =	sbarrier.arrive $0xFFFF  }
0x1a: {  	[tilespmem:s3], [sflag:$0x5] =	stream.linear.gather [hbm4b:s7+s3], $0x1400, $0x38;
	[tilespmem:$0x1E800] =	vst v63  }
0x1b: {  	_ =	swait.ge [sflag:s14], $0x1400  }
0x1c: {  	[sflag:s14] =	ssyncset.done $0x0  }
0x1d: {  	[sflag:s14] =	ssyncadd.s32 $0xFFFFEC00  }
0x1e: {  	[tilespmem:s15], [sflag:$0x5] =	stream.linear.gather [hbm4b:s8+s3], $0x1400, $0x38;
	[tilespmem:$0x1E800] =	vst v63  }
0x1f: {  	_ =	swait.ge [sflag:s14], $0x1400  }
0x20: {  	[sflag:s14] =	ssyncset.done $0x0  }
0x21: {  	[sflag:s14] =	ssyncadd.s32 $0xFFFFEC00  }
0x22: {  	[tilespmem:s17], [sflag:$0x1] =	stream.indirect.gather [hbm4b:s4+s16], $0x80, s3, s16, $0xb8;
	[tilespmem:$0x1E800] =	vst v63  }
0x23: {  	_ =	swait.ge [sflag:s18], $0x3E80  }
0x24: {  	[sflag:s18] =	ssyncset.done $0x0  }
0x25: {  	[sflag:s18] =	ssyncadd.s32 $0xFFFFC180  }
0x26: {  	[spmem:s2] =	stream.indirect.scatter.add.f32 [tilespmem:s17], [sflag:$0x3], $0x80, s15, s16, $0xb8;
	[tilespmem:$0x1E800] =	vst v63  }
0x27: {  	_ = 	snop  }
0x28: {  	[tilespmem:s20], [sflag:$0x2] =	stream.indirect.gather [hbm4b:s4+s16], $0x80, s19, s16, $0xb8;
	[tilespmem:$0x1E800] =	vst v63  }
0x29: {  	_ =	swait.ge [sflag:s21], $0x3E80  }
0x2a: {  	[sflag:s21] =	ssyncset.done $0x0  }
0x2b: {  	[sflag:s21] =	ssyncadd.s32 $0xFFFFC180  }
0x2c: {  	[spmem:s2] =	stream.indirect.scatter.add.f32 [tilespmem:s20], [sflag:$0x4], $0x80, s22, s16, $0xb8;
	[tilespmem:$0x1E800] =	vst v63  }
0x2d: {  	_ =	swait.ge [sflag:s23], $0x3E80  }
0x2e: {  	[sflag:s23] =	ssyncset.done $0x0  }
0x2f: {  	[sflag:s23] =	ssyncadd.s32 $0xFFFFC180  }
0x30: {  	[tilespmem:s17], [sflag:$0x1] =	stream.indirect.gather [hbm4b:s4+s16], $0x80, s24, s16, $0xb8;
	[tilespmem:$0x1E800] =	vst v63  }
0x31: {  	_ =	swait.ge [sflag:s18], $0x3E80  }
0x32: {  	[sflag:s18] =	ssyncset.done $0x0  }
0x33: {  	s1 =	simm.s32 $0x1500;
	[sflag:s18] =	ssyncadd.s32 $0xFFFFC180  }
0x34: {  	[spmem:s2] =	stream.indirect.scatter.add.f32 [tilespmem:s17], [sflag:$0x3], $0x80, s1, s16, $0xb8;
	[tilespmem:$0x1E800] =	vst v63  }
0x35: {  	_ =	swait.ge [sflag:s25], $0x3E80  }
0x36: {  	[sflag:s25] =	ssyncset.done $0x0  }
0x37: {  	s0 =	simm.s32 $0x180;
	[sflag:s25] =	ssyncadd.s32 $0xFFFFC180  }
0x38: {  	[tilespmem:s20], [sflag:$0x2] =	stream.indirect.gather [hbm4b:s4+s16], $0x80, s0, s16, $0xb8;
	[tilespmem:$0x1E800] =	vst v63  }
0x39: {  	_ =	swait.ge [sflag:s21], $0x3E80  }
0x3a: {  	[sflag:s21] =	ssyncset.done $0x0  }
0x3b: {  	s0 =	simm.s32 $0x1580;
	[sflag:s21] =	ssyncadd.s32 $0xFFFFC180  }
0x3c: {  	[spmem:s2] =	stream.indirect.scatter.add.f32 [tilespmem:s20], [sflag:$0x4], $0x80, s0, s16, $0xb8;
	[tilespmem:$0x1E800] =	vst v63  }
0x3d: {  	_ =	swait.ge [sflag:s23], $0x3E80  }
0x3e: {  	[sflag:s23] =	ssyncset.done $0x0  }
0x3f: {  	s31 =	simm.s32 $0xFFFFBC00;
	s1 =	simm.s32 $0x200;
	[sflag:s23] =	ssyncadd.s32 $0xFFFFC180  }
.LBB2_2:
0x40: {  	[tilespmem:s17], [sflag:$0x1] =	stream.indirect.gather [hbm4b:s4+s16], $0x80, s1, s16, $0xb8;
	[tilespmem:$0x1E800] =	vst v63  }
0x41: {  	s1 =	smov.u32 s31  }
0x42: {  	p0 =	sne.s32 s31, $0xFFFFFC00;
	s31 =	sadd.s32 $0x400, s31;
	_ =	swait.ge [sflag:s18], $0x3E80  }
0x43: {  	s1 =	sshra.s32 s1, $0x2;
	[sflag:s18] =	ssyncset.done $0x0  }
0x44: {  	s0 =	sadd.s32 $0x2700, s1;
	[sflag:s18] =	ssyncadd.s32 $0xFFFFC180  }
0x45: {  	[spmem:s2] =	stream.indirect.scatter.add.f32 [tilespmem:s17], [sflag:$0x3], $0x80, s0, s16, $0xb8;
	[tilespmem:$0x1E800] =	vst v63  }
0x46: {  	_ =	swait.ge [sflag:s25], $0x3E80  }
0x47: {  	[sflag:s25] =	ssyncset.done $0x0  }
0x48: {  	s0 =	sadd.s32 $0x1380, s1;
	[sflag:s25] =	ssyncadd.s32 $0xFFFFC180  }
0x49: {  	[tilespmem:s20], [sflag:$0x2] =	stream.indirect.gather [hbm4b:s4+s16], $0x80, s0, s16, $0xb8;
	[tilespmem:$0x1E800] =	vst v63  }
0x4a: {  	_ =	swait.ge [sflag:s21], $0x3E80  }
0x4b: {  	[sflag:s21] =	ssyncset.done $0x0  }
.Ltmp0:
0x4c: {  	s0 =	sadd.s32 $0x2780, s1;
	[sflag:s21] =	ssyncadd.s32 $0xFFFFC180;
	(pc) =	sbr.rel @p0 .LBB2_2-.Ltmp0, $4  }
0x4d: {  	[spmem:s2] =	stream.indirect.scatter.add.f32 [tilespmem:s20], [sflag:$0x4], $0x80, s0, s16, $0xb8;
	[tilespmem:$0x1E800] =	vst v63  }
0x4e: {  	_ =	swait.ge [sflag:s23], $0x3E80  }
0x4f: {  	[sflag:s23] =	ssyncset.done $0x0  }
0x50: {  	s1 =	sadd.s32 $0x1400, s1;
	[sflag:s23] =	ssyncadd.s32 $0xFFFFC180  }
0x51: {  	[tilespmem:s17], [sflag:$0x1] =	stream.indirect.gather [hbm4b:s4+s16], $0x80, s1, s16, $0xb8;
	[tilespmem:$0x1E800] =	vst v63  }
0x52: {  	_ =	swait.ge [sflag:s18], $0x3E80  }
0x53: {  	[sflag:s18] =	ssyncset.done $0x0  }
0x54: {  	[sflag:s18] =	ssyncadd.s32 $0xFFFFC180  }
0x55: {  	[spmem:s2] =	stream.indirect.scatter.add.f32 [tilespmem:s17], [sflag:$0x3], $0x80, s26, s16, $0xb8;
	[tilespmem:$0x1E800] =	vst v63  }
0x56: {  	_ =	swait.ge [sflag:s25], $0x3E80  }
0x57: {  	[sflag:s25] =	ssyncset.done $0x0  }
0x58: {  	[sflag:s25] =	ssyncadd.s32 $0xFFFFC180  }
0x59: {  	[tilespmem:s20], [sflag:$0x2] =	stream.indirect.gather [hbm4b:s4+s16], $0x80, s28, s16, $0xb8;
	[tilespmem:$0x1E800] =	vst v63  }
0x5a: {  	_ =	swait.ge [sflag:s21], $0x3E80  }
0x5b: {  	[sflag:s21] =	ssyncset.done $0x0  }
0x5c: {  	[sflag:s21] =	ssyncadd.s32 $0xFFFFC180  }
0x5d: {  	[spmem:s2] =	stream.indirect.scatter.add.f32 [tilespmem:s20], [sflag:$0x4], $0x80, s29, s16, $0xb8;
	[tilespmem:$0x1E800] =	vst v63  }
0x5e: {  	_ =	swait.ge [sflag:s23], $0x3E80  }
0x5f: {  	[sflag:s23] =	ssyncset.done $0x0  }
0x60: {  	[sflag:s23] =	ssyncadd.s32 $0xFFFFC180  }
0x61: {  	_ =	swait.ge [sflag:s25], $0x3E80  }
0x62: {  	[sflag:s25] =	ssyncset.done $0x0  }
0x63: {  	[sflag:s25] =	ssyncadd.s32 $0xFFFFC180  }
0x64: {  	[tilespmem:s3], [sflag:$0x5] =	stream.linear.gather [hbm4b:s9+s3], $0x1400, $0x38;
	[tilespmem:$0x1E800] =	vst v63  }
0x65: {  	_ =	swait.ge [sflag:s14], $0x1400  }
0x66: {  	[sflag:s14] =	ssyncset.done $0x0  }
0x67: {  	[sflag:s14] =	ssyncadd.s32 $0xFFFFEC00  }
0x68: {  	[tilespmem:s15], [sflag:$0x5] =	stream.linear.gather [hbm4b:s10+s3], $0x1400, $0x38;
	[tilespmem:$0x1E800] =	vst v63  }
0x69: {  	_ =	swait.ge [sflag:s14], $0x1400  }
0x6a: {  	[sflag:s14] =	ssyncset.done $0x0  }
0x6b: {  	[sflag:s14] =	ssyncadd.s32 $0xFFFFEC00  }
0x6c: {  	[tilespmem:s17], [sflag:$0x1] =	stream.indirect.gather [hbm4b:s4+s16], $0x80, s3, s16, $0xb8;
	[tilespmem:$0x1E800] =	vst v63  }
0x6d: {  	_ =	swait.ge [sflag:s18], $0x3E80  }
0x6e: {  	[sflag:s18] =	ssyncset.done $0x0  }
0x6f: {  	[sflag:s18] =	ssyncadd.s32 $0xFFFFC180  }
0x70: {  	[spmem:s2] =	stream.indirect.scatter.add.f32 [tilespmem:s17], [sflag:$0x3], $0x80, s15, s16, $0xb8;
	[tilespmem:$0x1E800] =	vst v63  }
0x71: {  	_ = 	snop  }
0x72: {  	[tilespmem:s20], [sflag:$0x2] =	stream.indirect.gather [hbm4b:s4+s16], $0x80, s19, s16, $0xb8;
	[tilespmem:$0x1E800] =	vst v63  }
0x73: {  	_ =	swait.ge [sflag:s21], $0x3E80  }
0x74: {  	[sflag:s21] =	ssyncset.done $0x0  }
0x75: {  	[sflag:s21] =	ssyncadd.s32 $0xFFFFC180  }
0x76: {  	[spmem:s2] =	stream.indirect.scatter.add.f32 [tilespmem:s20], [sflag:$0x4], $0x80, s22, s16, $0xb8;
	[tilespmem:$0x1E800] =	vst v63  }
0x77: {  	_ =	swait.ge [sflag:s23], $0x3E80  }
0x78: {  	[sflag:s23] =	ssyncset.done $0x0  }
0x79: {  	[sflag:s23] =	ssyncadd.s32 $0xFFFFC180  }
0x7a: {  	[tilespmem:s17], [sflag:$0x1] =	stream.indirect.gather [hbm4b:s4+s16], $0x80, s24, s16, $0xb8;
	[tilespmem:$0x1E800] =	vst v63  }
0x7b: {  	_ =	swait.ge [sflag:s18], $0x3E80  }
0x7c: {  	[sflag:s18] =	ssyncset.done $0x0  }
0x7d: {  	s0 =	simm.s32 $0x1500;
	[sflag:s18] =	ssyncadd.s32 $0xFFFFC180  }
0x7e: {  	[spmem:s2] =	stream.indirect.scatter.add.f32 [tilespmem:s17], [sflag:$0x3], $0x80, s0, s16, $0xb8;
	[tilespmem:$0x1E800] =	vst v63  }
0x7f: {  	_ =	swait.ge [sflag:s25], $0x3E80  }
0x80: {  	[sflag:s25] =	ssyncset.done $0x0  }
0x81: {  	s1 =	simm.s32 $0x180;
	[sflag:s25] =	ssyncadd.s32 $0xFFFFC180  }
0x82: {  	[tilespmem:s20], [sflag:$0x2] =	stream.indirect.gather [hbm4b:s4+s16], $0x80, s1, s16, $0xb8;
	[tilespmem:$0x1E800] =	vst v63  }
0x83: {  	_ =	swait.ge [sflag:s21], $0x3E80  }
0x84: {  	[sflag:s21] =	ssyncset.done $0x0  }
0x85: {  	s1 =	simm.s32 $0x1580;
	[sflag:s21] =	ssyncadd.s32 $0xFFFFC180  }
0x86: {  	[spmem:s2] =	stream.indirect.scatter.add.f32 [tilespmem:s20], [sflag:$0x4], $0x80, s1, s16, $0xb8;
	[tilespmem:$0x1E800] =	vst v63  }
0x87: {  	_ =	swait.ge [sflag:s23], $0x3E80  }
0x88: {  	[sflag:s23] =	ssyncset.done $0x0  }
0x89: {  	s31 =	simm.s32 $0xFFFFBC00;
	s1 =	simm.s32 $0x200;
	[sflag:s23] =	ssyncadd.s32 $0xFFFFC180  }
.LBB2_4:
0x8a: {  	[tilespmem:s17], [sflag:$0x1] =	stream.indirect.gather [hbm4b:s4+s16], $0x80, s1, s16, $0xb8;
	[tilespmem:$0x1E800] =	vst v63  }
0x8b: {  	s0 =	smov.u32 s31  }
0x8c: {  	p0 =	sne.s32 s31, $0xFFFFFC00;
	s31 =	sadd.s32 $0x400, s31;
	_ =	swait.ge [sflag:s18], $0x3E80  }
0x8d: {  	s0 =	sshra.s32 s0, $0x2;
	[sflag:s18] =	ssyncset.done $0x0  }
0x8e: {  	s1 =	sadd.s32 $0x2700, s0;
	[sflag:s18] =	ssyncadd.s32 $0xFFFFC180  }
0x8f: {  	[spmem:s2] =	stream.indirect.scatter.add.f32 [tilespmem:s17], [sflag:$0x3], $0x80, s1, s16, $0xb8;
	[tilespmem:$0x1E800] =	vst v63  }
0x90: {  	_ =	swait.ge [sflag:s25], $0x3E80  }
0x91: {  	[sflag:s25] =	ssyncset.done $0x0  }
0x92: {  	s1 =	sadd.s32 $0x1380, s0;
	[sflag:s25] =	ssyncadd.s32 $0xFFFFC180  }
0x93: {  	[tilespmem:s20], [sflag:$0x2] =	stream.indirect.gather [hbm4b:s4+s16], $0x80, s1, s16, $0xb8;
	[tilespmem:$0x1E800] =	vst v63  }
0x94: {  	_ =	swait.ge [sflag:s21], $0x3E80  }
0x95: {  	[sflag:s21] =	ssyncset.done $0x0  }
.Ltmp1:
0x96: {  	s1 =	sadd.s32 $0x2780, s0;
	[sflag:s21] =	ssyncadd.s32 $0xFFFFC180;
	(pc) =	sbr.rel @p0 .LBB2_4-.Ltmp1, $4  }
0x97: {  	[spmem:s2] =	stream.indirect.scatter.add.f32 [tilespmem:s20], [sflag:$0x4], $0x80, s1, s16, $0xb8;
	[tilespmem:$0x1E800] =	vst v63  }
0x98: {  	_ =	swait.ge [sflag:s23], $0x3E80  }
0x99: {  	[sflag:s23] =	ssyncset.done $0x0  }
0x9a: {  	s1 =	sadd.s32 $0x1400, s0;
	[sflag:s23] =	ssyncadd.s32 $0xFFFFC180  }
0x9b: {  	[tilespmem:s17], [sflag:$0x1] =	stream.indirect.gather [hbm4b:s4+s16], $0x80, s1, s16, $0xb8;
	[tilespmem:$0x1E800] =	vst v63  }
0x9c: {  	_ =	swait.ge [sflag:s18], $0x3E80  }
0x9d: {  	[sflag:s18] =	ssyncset.done $0x0  }
0x9e: {  	[sflag:s18] =	ssyncadd.s32 $0xFFFFC180  }
0x9f: {  	[spmem:s2] =	stream.indirect.scatter.add.f32 [tilespmem:s17], [sflag:$0x3], $0x80, s26, s16, $0xb8;
	[tilespmem:$0x1E800] =	vst v63  }
0xa0: {  	_ =	swait.ge [sflag:s25], $0x3E80  }
0xa1: {  	[sflag:s25] =	ssyncset.done $0x0  }
0xa2: {  	[sflag:s25] =	ssyncadd.s32 $0xFFFFC180  }
0xa3: {  	[tilespmem:s20], [sflag:$0x2] =	stream.indirect.gather [hbm4b:s4+s16], $0x80, s28, s16, $0xb8;
	[tilespmem:$0x1E800] =	vst v63  }
0xa4: {  	_ =	swait.ge [sflag:s21], $0x3E80  }
0xa5: {  	[sflag:s21] =	ssyncset.done $0x0  }
0xa6: {  	[sflag:s21] =	ssyncadd.s32 $0xFFFFC180  }
0xa7: {  	[spmem:s2] =	stream.indirect.scatter.add.f32 [tilespmem:s20], [sflag:$0x4], $0x80, s29, s16, $0xb8;
	[tilespmem:$0x1E800] =	vst v63  }
0xa8: {  	_ =	swait.ge [sflag:s23], $0x3E80  }
0xa9: {  	[sflag:s23] =	ssyncset.done $0x0  }
0xaa: {  	[sflag:s23] =	ssyncadd.s32 $0xFFFFC180  }
0xab: {  	_ =	swait.ge [sflag:s25], $0x3E80  }
0xac: {  	s30 =	sadd.s32 $0x1, s30;
	[sflag:s25] =	ssyncset.done $0x0  }
0xad: {  	p0 =	sne.s32 s30, s12;
	[sflag:s25] =	ssyncadd.s32 $0xFFFFC180  }
.Ltmp2:
0xae: {  	[bflag:$0x0] =	sbarrier.arrive $0xFFFF;
	(pc) =	sbr.rel @p0 .LBB2_1-.Ltmp2, $4  }
0xaf: {  	[hbm:s11], [sflag:s6] =	dma.local [spmem:s13], $0x2800  }
0xb0: {  	_ =	swait.ge [sflag:s14], $0x2800  }
0xb1: {  	[sflag:s14] =	ssyncset.done $0x0  }
0xb2: {  	[sflag:s14] =	ssyncadd.s32 $0xFFFFD800  }
0xb3: {  	_ =	sfence.sel $0x180000  }
0xb4: {  	[bflag:$0x0] =	sbarrier.arrive $0xFFFF  }
0xb5: {  	_ =	strace $0x9000004A  }
0xb6: {  	s0 =	stileid.u32;
	[bflag:$0x2] =	sbarrier.arrive $0xFFFF  }
0xb7: {  	p0 =	sne.s32 s0, $0x0;
	s0 =	rddreg [dreg:$0x3]  }
0xb8: {  	s0 =	sadd.s32 @!p0 $0x100000, s0  }
0xb9: {  	[sflag:s0] =	ssyncadd.tile.s32 @!p0 $0x1;
	_ =	shalt  }
.Lfunc_end2:
_tile_overlayer_lowered:
.L_overlay_start_2:
0xba: {  	(tag) =	ssettag $0x2  }
0xbb: {  	s0 =	rddreg [dreg:$0x0];
	s2 =	stileid.u32  }
0xbc: {  	s1 =	rddreg [dreg:$0x1];
	p0 =	sne.s32 s2, $0x0  }
0xbd: {  	s3 =	rddreg [dreg:$0x2];
	[bflag:$0x3] =	sbarrier.arrive $0xFFFF;
	s2 =	simm.s32 @!p0 $0x1C05  }
0xbe: {  	[timem:s3], [sflag:s2] =	dma.local @!p0 [hbm:s0], s1  }
0xbf: {  	s0 =	simm.s32 @!p0 $0x5  }
0xc0: {  	_ =	swait.ge @!p0 [sflag:s0], s1  }
0xc1: {  	s1 =	ssub.s32 @!p0 $0x0, s1;
	[sflag:s0] =	ssyncset.done @!p0 $0x0  }
0xc2: {  	[sflag:s0] =	ssyncadd.s32 @!p0 s1  }
0xc3: {  	[bflag:$0x3] =	sbarrier.arrive $0xFFFF  }
0xc4: {  	_ =	shalt  }

// kernel: kernel.9.cloned.1.call-start
scs
__scs_entry_jumppad:
0x0: {  	(pc) =	sbr.rel $0x88, $3  }
0x1: {  	(tag) =	ssettag $0x0;
	lr =	simm.s32 $0x1  }
0x2: {  	[smem:$0x3F96] =	sst lr;
	_ =	strace $0xD0000000  }
0x3: {  	_ = 	snop  }
0x4: {  	_ = 	snop  }
0x5: {  	_ = 	snop  }
0x6: {  	_ = 	snop  }
0x7: {  	_ = 	snop  }
__scs_overlays_trampoline_lowered:
0x8: {  	[smem:$0x3FA5] =	sst s0  }
0x9: {  	[smem:$0x3FA6] =	sst s1  }
0xa: {  	[smem:$0x3FA7] =	sst s2  }
0xb: {  	[smem:$0x3FA8] =	sst s3  }
0xc: {  	[smem:$0x3FA9] =	sst s4  }
0xd: {  	[smem:$0x3FAA] =	sst s5  }
0xe: {  	[smem:$0x3FAB] =	sst s6  }
0xf: {  	[smem:$0x3FAC] =	sst s7  }
0x10: {  	[smem:$0x3FAD] =	sst s8  }
0x11: {  	[smem:$0x3FAE] =	sst s9;
	s0 =	simm.s32 @!p0 $0x0  }
0x12: {  	s1 =	sld [smem:$0x3F94];
	s0 =	simm.s32 @p0 $0x1  }
0x13: {  	[smem:$0x3FAF] =	sst s0;
	s0 =	simm.s32 @!p1 $0x0  }
0x14: {  	s2 =	sld [smem:$0x3F93];
	s0 =	simm.s32 @p1 $0x1  }
0x15: {  	[smem:$0x3FB0] =	sst s0;
	s0 =	simm.s32 @!p2 $0x0  }
0x16: {  	s3 =	sld [smem:$0x3FDB];
	s0 =	simm.s32 @p2 $0x1  }
0x17: {  	s4 =	simm.s32 $0x1BF5;
	[smem:$0x3FB2] =	sst s0  }
0x18: {  	s0 =	sld [smem:$0x3F95];
	_ =	swait.ge [sflag:s4], $0x0  }
0x19: {  	s7 =	sld [smem:$0x3F96]  }
0x1a: {  	s8 =	sadd.s32 $0xFFFFE003, lr  }
0x1b: {  	s9 =	sadd.s32 $0xFFFFFEF7, lr;
	s5 =	simm.s32 $0xFFFFFFFF;
	p2 =	slt.u32 s8, $0xFFFFF086  }
0x1c: {  	p1 =	slt.u32 s9, $0xF7A;
	s5 =	simm.s32 @!p2 $0x0  }
0x1d: {  	s5 =	simm.s32 @p1 $0x1;
	p0 =	seq.s32 s7, s2  }
0x1e: {  	s7 =	smul.u32 @!p0 $0xF7A, s2;
	p2 =	seq.s32 @!p0 s5, $0x0  }
0x1f: {  	s9 =	smul.u32 $0xF7A, s1;
	s8 =	simm.s32 @!p0 $0x1BF5;
	p2 =	por !p2, p0  }
0x20: {  	[sflag:s8] =	ssyncset.s32 @!p0 $0xFFFFF086;
	s6 =	sadd.s32 @!p0 s3, s7;
	s7 =	simm.s32 @!p0 $0x108  }
0x21: {  	s3 =	sadd.s32 s3, s9;
	s6 =	sadd.s32 @!p0 $0x88, s6;
	s7 =	simm.s32 @p2 $0x1082  }
0x22: {  	[simem:s7], [sflag:s8] =	dma.local @!p0 [hbm:s6], $0xF7A  }
0x23: {  	s9 =	sor.u32 $0xD0000000, s2;
	s6 =	simm.s32 $0x108;
	_ =	swait.ge @!p0 [sflag:s8], $0x0  }
0x24: {  	s3 =	sadd.s32 $0x88, s3;
	s6 =	simm.s32 @!p1 $0x1082;
	[sflag:s4] =	ssyncset.s32 $0xFFFFF086  }
0x25: {  	[simem:s6], [sflag:s4] =	dma.local [hbm:s3], $0xF7A  }
0x26: {  	[smem:$0x3F96] =	sst s1;
	(tag) =	ssettag s2;
	_ =	strace s9  }
0x27: {  	s1 =	sld [smem:$0x3FA6]  }
0x28: {  	s2 =	sld [smem:$0x3FA7]  }
0x29: {  	s4 =	sld [smem:$0x3FA9]  }
0x2a: {  	p0 =	seq.s32 s5, $0x0;
	s5 =	sld [smem:$0x3FAA]  }
0x2b: {  	s6 =	sld [smem:$0x3FAB]  }
0x2c: {  	s7 =	sld [smem:$0x3FAC]  }
0x2d: {  	s3 =	simm.s32 $0x108;
	s8 =	sld [smem:$0x3FAD]  }
0x2e: {  	s3 =	simm.s32 @!p0 $0x1082;
	s9 =	sld [smem:$0x3FAE]  }
0x2f: {  	lr =	sadd.s32 s0, s3;
	s0 =	sld [smem:$0x3FA5]  }
0x30: {  	s3 =	sld [smem:$0x3FA8]  }
0x31: {  	[smem:$0x3FB1] =	sst s10  }
0x32: {  	s10 =	sld [smem:$0x3FAF];
	_ =	sdelay $0x3  }
0x33: {  	p0 =	seq.s32 s10, $0x1;
	s10 =	sld [smem:$0x3FB1];
	_ =	sdelay $0x3  }
0x34: {  	[smem:$0x3FB1] =	sst s10  }
0x35: {  	s10 =	sld [smem:$0x3FB0];
	_ =	sdelay $0x3  }
0x36: {  	p1 =	seq.s32 s10, $0x1;
	s10 =	sld [smem:$0x3FB1];
	_ =	sdelay $0x3  }
0x37: {  	[smem:$0x3FB1] =	sst s10  }
0x38: {  	s10 =	sld [smem:$0x3FB2]  }
0x39: {  	_ = 	snop;
	(pc) =	sbr.ind lr, $3  }
0x3a: {  	_ = 	snop  }
0x3b: {  	_ = 	snop  }
0x3c: {  	p2 =	seq.s32 s10, $0x1;
	s10 =	sld [smem:$0x3FB1]  }
0x3d: {  	_ =	shalt  }
0x3e: {  	_ =	shalt  }
0x3f: {  	_ =	shalt  }
0x40: {  	_ =	shalt  }
0x41: {  	_ =	shalt  }
0x42: {  	_ =	shalt  }
0x43: {  	_ =	shalt  }
0x44: {  	_ =	shalt  }
0x45: {  	_ =	shalt  }
0x46: {  	_ =	shalt  }
0x47: {  	_ =	shalt  }
0x48: {  	_ =	shalt  }
0x49: {  	_ =	shalt  }
0x4a: {  	_ =	shalt  }
0x4b: {  	_ =	shalt  }
0x4c: {  	_ =	shalt  }
0x4d: {  	_ =	shalt  }
0x4e: {  	_ =	shalt  }
0x4f: {  	_ =	shalt  }
0x50: {  	_ =	shalt  }
0x51: {  	_ =	shalt  }
0x52: {  	_ =	shalt  }
0x53: {  	_ =	shalt  }
0x54: {  	_ =	shalt  }
0x55: {  	_ =	shalt  }
0x56: {  	_ =	shalt  }
0x57: {  	_ =	shalt  }
0x58: {  	_ =	shalt  }
0x59: {  	_ =	shalt  }
0x5a: {  	_ =	shalt  }
0x5b: {  	_ =	shalt  }
0x5c: {  	_ =	shalt  }
0x5d: {  	_ =	shalt  }
0x5e: {  	_ =	shalt  }
0x5f: {  	_ =	shalt  }
0x60: {  	_ =	shalt  }
0x61: {  	_ =	shalt  }
0x62: {  	_ =	shalt  }
0x63: {  	_ =	shalt  }
0x64: {  	_ =	shalt  }
0x65: {  	_ =	shalt  }
0x66: {  	_ =	shalt  }
0x67: {  	_ =	shalt  }
0x68: {  	_ =	shalt  }
0x69: {  	_ =	shalt  }
0x6a: {  	_ =	shalt  }
0x6b: {  	_ =	shalt  }
0x6c: {  	_ =	shalt  }
0x6d: {  	_ =	shalt  }
0x6e: {  	_ =	shalt  }
0x6f: {  	_ =	shalt  }
0x70: {  	_ =	shalt  }
0x71: {  	_ =	shalt  }
0x72: {  	_ =	shalt  }
0x73: {  	_ =	shalt  }
0x74: {  	_ =	shalt  }
0x75: {  	_ =	shalt  }
0x76: {  	_ =	shalt  }
0x77: {  	_ =	shalt  }
0x78: {  	_ =	shalt  }
0x79: {  	_ =	shalt  }
0x7a: {  	_ =	shalt  }
0x7b: {  	_ =	shalt  }
0x7c: {  	_ =	shalt  }
0x7d: {  	_ =	shalt  }
0x7e: {  	_ =	shalt  }
0x7f: {  	_ =	shalt  }
0x80: {  	_ =	shalt  }
0x81: {  	_ =	shalt  }
0x82: {  	_ =	shalt  }
0x83: {  	_ =	shalt  }
0x84: {  	_ =	shalt  }
0x85: {  	_ =	shalt  }
0x86: {  	_ =	shalt  }
0x87: {  	_ =	shalt  }
.Lfunc_end0:
.L_simem_size_0:
called_computation_lowered:
.L_overlay_start_0:
0x88: {  	s2 =	sld [smem:$0x3FD9]  }
0x89: {  	s3 =	sld [smem:$0x3FFE];
	_ =	sdelay $0x1  }
0x8a: {  	s1 =	srdreg.scid  }
0x8b: {  	s0 =	sand.u32 $0x1, s1  }
0x8c: {  	s17 =	sshll.u32 s0, $0xA;
	s2 =	sadd.s32 s3, s2  }
0x8d: {  	s2 =	sadd.s32 s2, s17  }
0x8e: {  	[smem:$0x3FBD] =	sst s2  }
0x8f: {  	_ = 	snop  }
0x90: {  	s2 =	sld [smem:$0x3FD0];
	(tm) =	ssettm $0x1  }
0x91: {  	s18 =	sld [smem:$0x3FFB];
	_ =	sdelay $0x3  }
0x92: {  	_ =	strace s18  }
0x93: {  	s3 =	sld [smem:$0x3FFC];
	_ =	sdelay $0x3  }
0x94: {  	_ =	strace s3  }
0x95: {  	s3 =	sld [smem:$0x3FFD];
	_ =	sdelay $0x3  }
0x96: {  	_ =	strace s3  }
0x97: {  	_ =	strace $0x8FFFFFFF  }
0x98: {  	s19 =	sld [smem:$0x3FDB];
	_ =	sdelay $0x1  }
0x99: {  	s4 =	simm.s32 $_scs_section_size  }
0x9a: {  	s5 =	simm.s32 $_size__tile_overlayer_lowered;
	s6 =	simm.s32 $_tile_overlayer_lowered  }
0x9b: {  	s22 =	simm.s32 $0x1BFF;
	s21 =	sshll.u32 s6, $0x1;
	s3 =	sadd.s32 s4, s19  }
0x9c: {  	s7 =	simm.s32 $0x0;
	s20 =	sshll.u32 s5, $0x1;
	s5 =	sadd.s32 s21, s3  }
0x9d: {  	[timem:s7], [sflag:s22] =	dma.local [hbm:s5], s20  }
0x9e: {  	_ =	swait.ge [sflag:s22], s20  }
0x9f: {  	s4 =	ssub.s32 $0x0, s20;
	[sflag:s22] =	ssyncset.done $0x0  }
0xa0: {  	[sflag:s22] =	ssyncadd.s32 s4;
	_ =	sdelay $0x1  }
0xa1: {  	s23 =	simm.s32 $0x1B8B  }
0xa2: {  	_ =	swait.ge [sflag:s23], $0x1  }
0xa3: {  	[sflag:s23] =	ssyncset.done $0x0  }
0xa4: {  	s25 =	simm.s32 $0x1B8E;
	s24 =	sld [smem:$0x3FFE];
	[sflag:s23] =	ssyncadd.s32 $0xFFFFFFFF  }
0xa5: {  	s26 =	simm.s32 $execute0_lowered;
	[smem:$0x3FD2] =	sst s25  }
0xa6: {  	s5 =	sshll.u32 s26, $0x1;
	_ =	strace $0x80000046;
	[dreg:$0x1] =	wrdreg $0xFFFFFFFF  }
0xa7: {  	s28 =	simm.s32 $_size_execute0_lowered;
	s3 =	sadd.s32 s3, s5;
	[dreg:$0x0] =	wrdreg $0x0  }
0xa8: {  	s5 =	sshll.u32 s28, $0x1;
	[dreg:$0x2] =	wrdreg s3  }
0xa9: {  	[dreg:$0x3] =	wrdreg s5  }
0xaa: {  	[dreg:$0x4] =	wrdreg $0xC0  }
0xab: {  	_ =	task [dreg:s7], $0x5FFFF  }
0xac: {  	[dreg:$0x1] =	wrdreg $0xFFFFFFFF  }
0xad: {  	[dreg:$0x0] =	wrdreg $0x60  }
0xae: {  	[dreg:$0x2] =	wrdreg s24  }
0xaf: {  	[dreg:$0x3] =	wrdreg s2  }
0xb0: {  	[dreg:$0x4] =	wrdreg $0xA8000  }
0xb1: {  	[dreg:$0x5] =	wrdreg $0x9  }
0xb2: {  	_ =	task.clear_ibuf [dreg:s7], $0x6FFFF;
	_ =	strace $0x90000046  }
0xb3: {  	s29 =	simm.s32 $0x9;
	_ =	strace $0x80000048  }
0xb4: {  	_ =	swait.ge [sflag:s29], $0x1  }
0xb5: {  	[sflag:s29] =	ssyncadd.s32 $0xFFFFFFFF  }
0xb6: {  	_ =	strace $0x90000048  }
0xb7: {  	_ =	sfence  }
0xb8: {  	s30 =	sld [smem:$0x0];
	_ =	sdelay $0x2  }
0xb9: {  	s31 =	sshll.u32 s1, $0xD;
	s1 =	sshrl.u32 s1, $0x2  }
0xba: {  	s3 =	sand.u32 $0x4000, s31;
	s1 =	sadd.s32 s1, s30  }
0xbb: {  	s0 =	sor.u32 s3, s0;
	s1 =	sshll.u32 s1, $0x11  }
0xbc: {  	s0 =	sor.u32 s1, s0  }
0xbd: {  	s0 =	sadd.s32 $0x8F2B, s0  }
0xbe: {  	[sflag:s0] =	ssyncadd.remote.s32 $0x1  }
0xbf: {  	_ =	sfence.sel $0xFFFF  }
0xc0: {  	[dreg:$0x0] =	wrdreg $0xFFFFFFFF;
	(pc) =	sbr.abs _section_cstart, $3  }
0xc1: {  	[dreg:$0x1] =	wrdreg $0xFFFFFFFF  }
0xc2: {  	_ =	task.clear_ibuf [dreg:s7], $0x2FFFF;
	_ =	strace $0x9FFFFFFF  }
0xc3: {  	(tm) =	ssettm $0x7FFFFFFF  }
tec
execute0_lowered:
.L_overlay_start_1:
0x0: {  	(tag) =	ssettag $0x1  }
0x1: {  	s1 =	rddreg [dreg:$0x0]  }
0x2: {  	s5 =	rddreg [dreg:$0x1]  }
0x3: {  	s3 =	srdreg.scid;
	s0 =	stileid.u32  }
0x4: {  	s2 =	rddreg [dreg:$0x2];
	s15 =	simm.s32 $0x1400;
	s16 =	simm.s32 $0x7D  }
0x5: {  	s17 =	simm.s32 $0x2800;
	s18 =	simm.s32 $0x1;
	s19 =	simm.s32 $0x80  }
0x6: {  	s20 =	simm.s32 $0x6800;
	s21 =	simm.s32 $0x2;
	s28 =	simm.s32 $0x1380  }
0x7: {  	s29 =	simm.s32 $0x2780;
	s30 =	simm.s32 $0x0;
	s6 =	sand.u32 $0x1, s3  }
0x8: {  	s7 =	smul.u32 $0x14000, s0;
	s3 =	simm.s32 $0x0;
	s4 =	sadd.s32 $0x16000, s1  }
0x9: {  	s9 =	sadd.s32 $0x2000, s1;
	s10 =	sadd.s32 $0xC000, s1;
	s12 =	smul.u32 $0x50000, s0  }
0xa: {  	s13 =	sshll.u32 s0, $0x1;
	s31 =	sshll.u32 s0, $0x6;
	s8 =	smul.u32 $0x140000, s6  }
0xb: {  	[smem:$0x7FF] =	sst s3;
	s11 =	ssub.s32 $0x2, s6;
	s6 =	sor.u32 s6, s13  }
0xc: {  	_ =	strace $0x80000047;
	s22 =	sshrl.u32 s11, $0x1;
	s24 =	sshrl.u32 s12, $0x2  }
0xd: {  	s25 =	smul.u32 $0x2800, s6;
	s26 =	sshrl.u32 s7, $0x3;
	s6 =	sor.u32 $0x1C05, s31  }
0xe: {  	s8 =	sadd.s32 s7, s8;
	s23 =	ssub.s32 s11, s22;
	s14 =	sadd.s32 s24, s2  }
0xf: {  	s5 =	sadd.s32 s5, s26;
	s22 =	simm.s32 $0x1480;
	s24 =	simm.s32 $0x100  }
0x10: {  	s26 =	simm.s32 $0x2700;
	s8 =	sshrl.u32 s8, $0x3;
	s11 =	sshrl.u32 s25, $0x3  }
0x11: {  	s12 =	smax.u32 s23, $0x1;
	s13 =	sshrl.u32 s14, $0x3;
	s14 =	simm.s32 $0x5  }
0x12: {  	s23 =	simm.s32 $0x3;
	s25 =	simm.s32 $0x4;
	s1 =	sadd.s32 s8, s1  }
0x13: {  	s7 =	sadd.s32 s9, s11;
	s8 =	sadd.s32 s10, s11;
	s11 =	sadd.s32 $0x280, s11  }
0x14: {  	s9 =	sadd.s32 s9, s11;
	s10 =	sadd.s32 s10, s11;
	s11 =	sadd.s32 $0x3D200, s1  }
.LBB2_1:
0x15: {  	[spmem:s13], [sflag:s6] =	dma.local [hbm:s5], $0x2800  }
0x16: {  	_ =	swait.ge [sflag:s14], $0x2800  }
0x17: {  	[sflag:s14] =	ssyncset.done $0x0  }
0x18: {  	[sflag:s14] =	ssyncadd.s32 $0xFFFFD800  }
0x19: {  	[bflag:$0x0] =	sbarrier.arrive $0xFFFF  }
0x1a: {  	[tilespmem:s3], [sflag:$0x5] =	stream.linear.gather [hbm4b:s7+s3], $0x1400, $0x38;
	[tilespmem:$0x1E800] =	vst v63  }
0x1b: {  	_ =	swait.ge [sflag:s14], $0x1400  }
0x1c: {  	[sflag:s14] =	ssyncset.done $0x0  }
0x1d: {  	[sflag:s14] =	ssyncadd.s32 $0xFFFFEC00  }
0x1e: {  	[tilespmem:s15], [sflag:$0x5] =	stream.linear.gather [hbm4b:s8+s3], $0x1400, $0x38;
	[tilespmem:$0x1E800] =	vst v63  }
0x1f: {  	_ =	swait.ge [sflag:s14], $0x1400  }
0x20: {  	[sflag:s14] =	ssyncset.done $0x0  }
0x21: {  	[sflag:s14] =	ssyncadd.s32 $0xFFFFEC00  }
0x22: {  	[tilespmem:s17], [sflag:$0x1] =	stream.indirect.gather [hbm4b:s4+s16], $0x80, s3, s16, $0xb8;
	[tilespmem:$0x1E800] =	vst v63  }
0x23: {  	_ =	swait.ge [sflag:s18], $0x3E80  }
0x24: {  	[sflag:s18] =	ssyncset.done $0x0  }
0x25: {  	[sflag:s18] =	ssyncadd.s32 $0xFFFFC180  }
0x26: {  	[spmem:s2] =	stream.indirect.scatter.add.f32 [tilespmem:s17], [sflag:$0x3], $0x80, s15, s16, $0xb8;
	[tilespmem:$0x1E800] =	vst v63  }
0x27: {  	_ = 	snop  }
0x28: {  	[tilespmem:s20], [sflag:$0x2] =	stream.indirect.gather [hbm4b:s4+s16], $0x80, s19, s16, $0xb8;
	[tilespmem:$0x1E800] =	vst v63  }
0x29: {  	_ =	swait.ge [sflag:s21], $0x3E80  }
0x2a: {  	[sflag:s21] =	ssyncset.done $0x0  }
0x2b: {  	[sflag:s21] =	ssyncadd.s32 $0xFFFFC180  }
0x2c: {  	[spmem:s2] =	stream.indirect.scatter.add.f32 [tilespmem:s20], [sflag:$0x4], $0x80, s22, s16, $0xb8;
	[tilespmem:$0x1E800] =	vst v63  }
0x2d: {  	_ =	swait.ge [sflag:s23], $0x3E80  }
0x2e: {  	[sflag:s23] =	ssyncset.done $0x0  }
0x2f: {  	[sflag:s23] =	ssyncadd.s32 $0xFFFFC180  }
0x30: {  	[tilespmem:s17], [sflag:$0x1] =	stream.indirect.gather [hbm4b:s4+s16], $0x80, s24, s16, $0xb8;
	[tilespmem:$0x1E800] =	vst v63  }
0x31: {  	_ =	swait.ge [sflag:s18], $0x3E80  }
0x32: {  	[sflag:s18] =	ssyncset.done $0x0  }
0x33: {  	s1 =	simm.s32 $0x1500;
	[sflag:s18] =	ssyncadd.s32 $0xFFFFC180  }
0x34: {  	[spmem:s2] =	stream.indirect.scatter.add.f32 [tilespmem:s17], [sflag:$0x3], $0x80, s1, s16, $0xb8;
	[tilespmem:$0x1E800] =	vst v63  }
0x35: {  	_ =	swait.ge [sflag:s25], $0x3E80  }
0x36: {  	[sflag:s25] =	ssyncset.done $0x0  }
0x37: {  	s0 =	simm.s32 $0x180;
	[sflag:s25] =	ssyncadd.s32 $0xFFFFC180  }
0x38: {  	[tilespmem:s20], [sflag:$0x2] =	stream.indirect.gather [hbm4b:s4+s16], $0x80, s0, s16, $0xb8;
	[tilespmem:$0x1E800] =	vst v63  }
0x39: {  	_ =	swait.ge [sflag:s21], $0x3E80  }
0x3a: {  	[sflag:s21] =	ssyncset.done $0x0  }
0x3b: {  	s0 =	simm.s32 $0x1580;
	[sflag:s21] =	ssyncadd.s32 $0xFFFFC180  }
0x3c: {  	[spmem:s2] =	stream.indirect.scatter.add.f32 [tilespmem:s20], [sflag:$0x4], $0x80, s0, s16, $0xb8;
	[tilespmem:$0x1E800] =	vst v63  }
0x3d: {  	_ =	swait.ge [sflag:s23], $0x3E80  }
0x3e: {  	[sflag:s23] =	ssyncset.done $0x0  }
0x3f: {  	s31 =	simm.s32 $0xFFFFBC00;
	s1 =	simm.s32 $0x200;
	[sflag:s23] =	ssyncadd.s32 $0xFFFFC180  }
.LBB2_2:
0x40: {  	[tilespmem:s17], [sflag:$0x1] =	stream.indirect.gather [hbm4b:s4+s16], $0x80, s1, s16, $0xb8;
	[tilespmem:$0x1E800] =	vst v63  }
0x41: {  	s1 =	smov.u32 s31  }
0x42: {  	p0 =	sne.s32 s31, $0xFFFFFC00;
	s31 =	sadd.s32 $0x400, s31;
	_ =	swait.ge [sflag:s18], $0x3E80  }
0x43: {  	s1 =	sshra.s32 s1, $0x2;
	[sflag:s18] =	ssyncset.done $0x0  }
0x44: {  	s0 =	sadd.s32 $0x2700, s1;
	[sflag:s18] =	ssyncadd.s32 $0xFFFFC180  }
0x45: {  	[spmem:s2] =	stream.indirect.scatter.add.f32 [tilespmem:s17], [sflag:$0x3], $0x80, s0, s16, $0xb8;
	[tilespmem:$0x1E800] =	vst v63  }
0x46: {  	_ =	swait.ge [sflag:s25], $0x3E80  }
0x47: {  	[sflag:s25] =	ssyncset.done $0x0  }
0x48: {  	s0 =	sadd.s32 $0x1380, s1;
	[sflag:s25] =	ssyncadd.s32 $0xFFFFC180  }
0x49: {  	[tilespmem:s20], [sflag:$0x2] =	stream.indirect.gather [hbm4b:s4+s16], $0x80, s0, s16, $0xb8;
	[tilespmem:$0x1E800] =	vst v63  }
0x4a: {  	_ =	swait.ge [sflag:s21], $0x3E80  }
0x4b: {  	[sflag:s21] =	ssyncset.done $0x0  }
.Ltmp0:
0x4c: {  	s0 =	sadd.s32 $0x2780, s1;
	[sflag:s21] =	ssyncadd.s32 $0xFFFFC180;
	(pc) =	sbr.rel @p0 .LBB2_2-.Ltmp0, $4  }
0x4d: {  	[spmem:s2] =	stream.indirect.scatter.add.f32 [tilespmem:s20], [sflag:$0x4], $0x80, s0, s16, $0xb8;
	[tilespmem:$0x1E800] =	vst v63  }
0x4e: {  	_ =	swait.ge [sflag:s23], $0x3E80  }
0x4f: {  	[sflag:s23] =	ssyncset.done $0x0  }
0x50: {  	s1 =	sadd.s32 $0x1400, s1;
	[sflag:s23] =	ssyncadd.s32 $0xFFFFC180  }
0x51: {  	[tilespmem:s17], [sflag:$0x1] =	stream.indirect.gather [hbm4b:s4+s16], $0x80, s1, s16, $0xb8;
	[tilespmem:$0x1E800] =	vst v63  }
0x52: {  	_ =	swait.ge [sflag:s18], $0x3E80  }
0x53: {  	[sflag:s18] =	ssyncset.done $0x0  }
0x54: {  	[sflag:s18] =	ssyncadd.s32 $0xFFFFC180  }
0x55: {  	[spmem:s2] =	stream.indirect.scatter.add.f32 [tilespmem:s17], [sflag:$0x3], $0x80, s26, s16, $0xb8;
	[tilespmem:$0x1E800] =	vst v63  }
0x56: {  	_ =	swait.ge [sflag:s25], $0x3E80  }
0x57: {  	[sflag:s25] =	ssyncset.done $0x0  }
0x58: {  	[sflag:s25] =	ssyncadd.s32 $0xFFFFC180  }
0x59: {  	[tilespmem:s20], [sflag:$0x2] =	stream.indirect.gather [hbm4b:s4+s16], $0x80, s28, s16, $0xb8;
	[tilespmem:$0x1E800] =	vst v63  }
0x5a: {  	_ =	swait.ge [sflag:s21], $0x3E80  }
0x5b: {  	[sflag:s21] =	ssyncset.done $0x0  }
0x5c: {  	[sflag:s21] =	ssyncadd.s32 $0xFFFFC180  }
0x5d: {  	[spmem:s2] =	stream.indirect.scatter.add.f32 [tilespmem:s20], [sflag:$0x4], $0x80, s29, s16, $0xb8;
	[tilespmem:$0x1E800] =	vst v63  }
0x5e: {  	_ =	swait.ge [sflag:s23], $0x3E80  }
0x5f: {  	[sflag:s23] =	ssyncset.done $0x0  }
0x60: {  	[sflag:s23] =	ssyncadd.s32 $0xFFFFC180  }
0x61: {  	_ =	swait.ge [sflag:s25], $0x3E80  }
0x62: {  	[sflag:s25] =	ssyncset.done $0x0  }
0x63: {  	[sflag:s25] =	ssyncadd.s32 $0xFFFFC180  }
0x64: {  	[tilespmem:s3], [sflag:$0x5] =	stream.linear.gather [hbm4b:s9+s3], $0x1400, $0x38;
	[tilespmem:$0x1E800] =	vst v63  }
0x65: {  	_ =	swait.ge [sflag:s14], $0x1400  }
0x66: {  	[sflag:s14] =	ssyncset.done $0x0  }
0x67: {  	[sflag:s14] =	ssyncadd.s32 $0xFFFFEC00  }
0x68: {  	[tilespmem:s15], [sflag:$0x5] =	stream.linear.gather [hbm4b:s10+s3], $0x1400, $0x38;
	[tilespmem:$0x1E800] =	vst v63  }
0x69: {  	_ =	swait.ge [sflag:s14], $0x1400  }
0x6a: {  	[sflag:s14] =	ssyncset.done $0x0  }
0x6b: {  	[sflag:s14] =	ssyncadd.s32 $0xFFFFEC00  }
0x6c: {  	[tilespmem:s17], [sflag:$0x1] =	stream.indirect.gather [hbm4b:s4+s16], $0x80, s3, s16, $0xb8;
	[tilespmem:$0x1E800] =	vst v63  }
0x6d: {  	_ =	swait.ge [sflag:s18], $0x3E80  }
0x6e: {  	[sflag:s18] =	ssyncset.done $0x0  }
0x6f: {  	[sflag:s18] =	ssyncadd.s32 $0xFFFFC180  }
0x70: {  	[spmem:s2] =	stream.indirect.scatter.add.f32 [tilespmem:s17], [sflag:$0x3], $0x80, s15, s16, $0xb8;
	[tilespmem:$0x1E800] =	vst v63  }
0x71: {  	_ = 	snop  }
0x72: {  	[tilespmem:s20], [sflag:$0x2] =	stream.indirect.gather [hbm4b:s4+s16], $0x80, s19, s16, $0xb8;
	[tilespmem:$0x1E800] =	vst v63  }
0x73: {  	_ =	swait.ge [sflag:s21], $0x3E80  }
0x74: {  	[sflag:s21] =	ssyncset.done $0x0  }
0x75: {  	[sflag:s21] =	ssyncadd.s32 $0xFFFFC180  }
0x76: {  	[spmem:s2] =	stream.indirect.scatter.add.f32 [tilespmem:s20], [sflag:$0x4], $0x80, s22, s16, $0xb8;
	[tilespmem:$0x1E800] =	vst v63  }
0x77: {  	_ =	swait.ge [sflag:s23], $0x3E80  }
0x78: {  	[sflag:s23] =	ssyncset.done $0x0  }
0x79: {  	[sflag:s23] =	ssyncadd.s32 $0xFFFFC180  }
0x7a: {  	[tilespmem:s17], [sflag:$0x1] =	stream.indirect.gather [hbm4b:s4+s16], $0x80, s24, s16, $0xb8;
	[tilespmem:$0x1E800] =	vst v63  }
0x7b: {  	_ =	swait.ge [sflag:s18], $0x3E80  }
0x7c: {  	[sflag:s18] =	ssyncset.done $0x0  }
0x7d: {  	s0 =	simm.s32 $0x1500;
	[sflag:s18] =	ssyncadd.s32 $0xFFFFC180  }
0x7e: {  	[spmem:s2] =	stream.indirect.scatter.add.f32 [tilespmem:s17], [sflag:$0x3], $0x80, s0, s16, $0xb8;
	[tilespmem:$0x1E800] =	vst v63  }
0x7f: {  	_ =	swait.ge [sflag:s25], $0x3E80  }
0x80: {  	[sflag:s25] =	ssyncset.done $0x0  }
0x81: {  	s1 =	simm.s32 $0x180;
	[sflag:s25] =	ssyncadd.s32 $0xFFFFC180  }
0x82: {  	[tilespmem:s20], [sflag:$0x2] =	stream.indirect.gather [hbm4b:s4+s16], $0x80, s1, s16, $0xb8;
	[tilespmem:$0x1E800] =	vst v63  }
0x83: {  	_ =	swait.ge [sflag:s21], $0x3E80  }
0x84: {  	[sflag:s21] =	ssyncset.done $0x0  }
0x85: {  	s1 =	simm.s32 $0x1580;
	[sflag:s21] =	ssyncadd.s32 $0xFFFFC180  }
0x86: {  	[spmem:s2] =	stream.indirect.scatter.add.f32 [tilespmem:s20], [sflag:$0x4], $0x80, s1, s16, $0xb8;
	[tilespmem:$0x1E800] =	vst v63  }
0x87: {  	_ =	swait.ge [sflag:s23], $0x3E80  }
0x88: {  	[sflag:s23] =	ssyncset.done $0x0  }
0x89: {  	s31 =	simm.s32 $0xFFFFBC00;
	s1 =	simm.s32 $0x200;
	[sflag:s23] =	ssyncadd.s32 $0xFFFFC180  }
.LBB2_4:
0x8a: {  	[tilespmem:s17], [sflag:$0x1] =	stream.indirect.gather [hbm4b:s4+s16], $0x80, s1, s16, $0xb8;
	[tilespmem:$0x1E800] =	vst v63  }
0x8b: {  	s0 =	smov.u32 s31  }
0x8c: {  	p0 =	sne.s32 s31, $0xFFFFFC00;
	s31 =	sadd.s32 $0x400, s31;
	_ =	swait.ge [sflag:s18], $0x3E80  }
0x8d: {  	s0 =	sshra.s32 s0, $0x2;
	[sflag:s18] =	ssyncset.done $0x0  }
0x8e: {  	s1 =	sadd.s32 $0x2700, s0;
	[sflag:s18] =	ssyncadd.s32 $0xFFFFC180  }
0x8f: {  	[spmem:s2] =	stream.indirect.scatter.add.f32 [tilespmem:s17], [sflag:$0x3], $0x80, s1, s16, $0xb8;
	[tilespmem:$0x1E800] =	vst v63  }
0x90: {  	_ =	swait.ge [sflag:s25], $0x3E80  }
0x91: {  	[sflag:s25] =	ssyncset.done $0x0  }
0x92: {  	s1 =	sadd.s32 $0x1380, s0;
	[sflag:s25] =	ssyncadd.s32 $0xFFFFC180  }
0x93: {  	[tilespmem:s20], [sflag:$0x2] =	stream.indirect.gather [hbm4b:s4+s16], $0x80, s1, s16, $0xb8;
	[tilespmem:$0x1E800] =	vst v63  }
0x94: {  	_ =	swait.ge [sflag:s21], $0x3E80  }
0x95: {  	[sflag:s21] =	ssyncset.done $0x0  }
.Ltmp1:
0x96: {  	s1 =	sadd.s32 $0x2780, s0;
	[sflag:s21] =	ssyncadd.s32 $0xFFFFC180;
	(pc) =	sbr.rel @p0 .LBB2_4-.Ltmp1, $4  }
0x97: {  	[spmem:s2] =	stream.indirect.scatter.add.f32 [tilespmem:s20], [sflag:$0x4], $0x80, s1, s16, $0xb8;
	[tilespmem:$0x1E800] =	vst v63  }
0x98: {  	_ =	swait.ge [sflag:s23], $0x3E80  }
0x99: {  	[sflag:s23] =	ssyncset.done $0x0  }
0x9a: {  	s1 =	sadd.s32 $0x1400, s0;
	[sflag:s23] =	ssyncadd.s32 $0xFFFFC180  }
0x9b: {  	[tilespmem:s17], [sflag:$0x1] =	stream.indirect.gather [hbm4b:s4+s16], $0x80, s1, s16, $0xb8;
	[tilespmem:$0x1E800] =	vst v63  }
0x9c: {  	_ =	swait.ge [sflag:s18], $0x3E80  }
0x9d: {  	[sflag:s18] =	ssyncset.done $0x0  }
0x9e: {  	[sflag:s18] =	ssyncadd.s32 $0xFFFFC180  }
0x9f: {  	[spmem:s2] =	stream.indirect.scatter.add.f32 [tilespmem:s17], [sflag:$0x3], $0x80, s26, s16, $0xb8;
	[tilespmem:$0x1E800] =	vst v63  }
0xa0: {  	_ =	swait.ge [sflag:s25], $0x3E80  }
0xa1: {  	[sflag:s25] =	ssyncset.done $0x0  }
0xa2: {  	[sflag:s25] =	ssyncadd.s32 $0xFFFFC180  }
0xa3: {  	[tilespmem:s20], [sflag:$0x2] =	stream.indirect.gather [hbm4b:s4+s16], $0x80, s28, s16, $0xb8;
	[tilespmem:$0x1E800] =	vst v63  }
0xa4: {  	_ =	swait.ge [sflag:s21], $0x3E80  }
0xa5: {  	[sflag:s21] =	ssyncset.done $0x0  }
0xa6: {  	[sflag:s21] =	ssyncadd.s32 $0xFFFFC180  }
0xa7: {  	[spmem:s2] =	stream.indirect.scatter.add.f32 [tilespmem:s20], [sflag:$0x4], $0x80, s29, s16, $0xb8;
	[tilespmem:$0x1E800] =	vst v63  }
0xa8: {  	_ =	swait.ge [sflag:s23], $0x3E80  }
0xa9: {  	[sflag:s23] =	ssyncset.done $0x0  }
0xaa: {  	[sflag:s23] =	ssyncadd.s32 $0xFFFFC180  }
0xab: {  	_ =	swait.ge [sflag:s25], $0x3E80  }
0xac: {  	s30 =	sadd.s32 $0x1, s30;
	[sflag:s25] =	ssyncset.done $0x0  }
0xad: {  	p0 =	sne.s32 s30, s12;
	[sflag:s25] =	ssyncadd.s32 $0xFFFFC180  }
.Ltmp2:
0xae: {  	[bflag:$0x0] =	sbarrier.arrive $0xFFFF;
	(pc) =	sbr.rel @p0 .LBB2_1-.Ltmp2, $4  }
0xaf: {  	[hbm:s11], [sflag:s6] =	dma.local [spmem:s13], $0x2800  }
0xb0: {  	_ =	swait.ge [sflag:s14], $0x2800  }
0xb1: {  	[sflag:s14] =	ssyncset.done $0x0  }
0xb2: {  	[sflag:s14] =	ssyncadd.s32 $0xFFFFD800  }
0xb3: {  	_ =	sfence.sel $0x180000  }
0xb4: {  	[bflag:$0x0] =	sbarrier.arrive $0xFFFF  }
0xb5: {  	_ =	strace $0x90000047  }
0xb6: {  	s0 =	stileid.u32;
	[bflag:$0x2] =	sbarrier.arrive $0xFFFF  }
0xb7: {  	p0 =	sne.s32 s0, $0x0;
	s0 =	rddreg [dreg:$0x3]  }
0xb8: {  	s0 =	sadd.s32 @!p0 $0x100000, s0  }
0xb9: {  	[sflag:s0] =	ssyncadd.tile.s32 @!p0 $0x1;
	_ =	shalt  }
.Lfunc_end2:
_tile_overlayer_lowered:
.L_overlay_start_2:
0xba: {  	(tag) =	ssettag $0x2  }
0xbb: {  	s0 =	rddreg [dreg:$0x0];
	s2 =	stileid.u32  }
0xbc: {  	s1 =	rddreg [dreg:$0x1];
	p0 =	sne.s32 s2, $0x0  }
0xbd: {  	s3 =	rddreg [dreg:$0x2];
	[bflag:$0x3] =	sbarrier.arrive $0xFFFF;
	s2 =	simm.s32 @!p0 $0x1C05  }
0xbe: {  	[timem:s3], [sflag:s2] =	dma.local @!p0 [hbm:s0], s1  }
0xbf: {  	s0 =	simm.s32 @!p0 $0x5  }
0xc0: {  	_ =	swait.ge @!p0 [sflag:s0], s1  }
0xc1: {  	s1 =	ssub.s32 @!p0 $0x0, s1;
	[sflag:s0] =	ssyncset.done @!p0 $0x0  }
0xc2: {  	[sflag:s0] =	ssyncadd.s32 @!p0 s1  }
0xc3: {  	[bflag:$0x3] =	sbarrier.arrive $0xFFFF  }
0xc4: {  	_ =	shalt  }

</sc_bundles>
